<compile_context>
chip_gen: v7x
topology: tpu7x:2x2x1
jax: 0.10.2.dev20260603
libtpu: 0.0.44.dev20260713+nightly
codegen_flags: <defaults>
</compile_context>

<pallas_src>
import functools

import jax
import jax.numpy as jnp
from jax import lax
from jax.experimental import pallas as pl
from jax.experimental.pallas import tpu as pltpu
from jax.experimental.pallas import tpu_sc as plsc

N = 10000
E = 640000
H = 128
G = 16
NSIG = int(N * 0.9 // G)

NC, NS = 2, 16
NW = NC * NS
CH = 128
NCHUNK = 158
EPW = NCHUNK * CH
EPAD = EPW * NW
DUMP = N
NP = 10240
SLAB = NP // NS
ZR = 128
RB = 1000
GRID = N // RB



def _deg_body(dst_hbm, ones_hbm, zeros_hbm, out_hbm, idx_v, ones_v, acc_sh):
    cid = lax.axis_index("c")
    sid = lax.axis_index("s")
    wid = sid * NC + cid
    base = wid * EPW
    for j in range(SLAB // ZR):
        pltpu.sync_copy(zeros_hbm, acc_sh.at[pl.ds(sid * SLAB + j * ZR, ZR)])
    pltpu.sync_copy(ones_hbm, ones_v)
    plsc.subcore_barrier()

    def step(i, carry):
        pltpu.sync_copy(dst_hbm.at[pl.ds(base + i * CH, CH)], idx_v)
        pltpu.sync_copy(ones_v, acc_sh.at[idx_v], add=True)
        return carry

    lax.fori_loop(0, NCHUNK, step, 0)
    plsc.subcore_barrier()
    pltpu.sync_copy(acc_sh.at[pl.ds(sid * SLAB, SLAB)],
                    out_hbm.at[cid, pl.ds(sid * SLAB, SLAB)])


def _spmm_body(src_hbm, dst_hbm, hws_hbm, zeros_hbm, out_hbm,
               sidx0, sidx1, didx0, didx1, rows0, rows1,
               acc_sh, gsem0, gsem1):
    cid = lax.axis_index("c")
    sid = lax.axis_index("s")
    wid = sid * NC + cid
    base = wid * EPW
    for j in range(SLAB // ZR):
        pltpu.sync_copy(zeros_hbm, acc_sh.at[pl.ds(sid * SLAB + j * ZR, ZR)])

    pltpu.sync_copy(src_hbm.at[pl.ds(base, CH)], sidx0)
    pltpu.sync_copy(dst_hbm.at[pl.ds(base, CH)], didx0)
    pltpu.async_copy(hws_hbm.at[sidx0], rows0, gsem0)
    plsc.subcore_barrier()

    def step(j, carry):
        i0 = 2 * j
        pltpu.sync_copy(src_hbm.at[pl.ds(base + (i0 + 1) * CH, CH)], sidx1)
        pltpu.sync_copy(dst_hbm.at[pl.ds(base + (i0 + 1) * CH, CH)], didx1)
        pltpu.async_copy(hws_hbm.at[sidx1], rows1, gsem1)
        pltpu.make_async_copy(hws_hbm.at[sidx0], rows0, gsem0).wait()
        pltpu.sync_copy(rows0, acc_sh.at[didx0], add=True)
        pltpu.sync_copy(src_hbm.at[pl.ds(base + (i0 + 2) * CH, CH)], sidx0)
        pltpu.sync_copy(dst_hbm.at[pl.ds(base + (i0 + 2) * CH, CH)], didx0)
        pltpu.async_copy(hws_hbm.at[sidx0], rows0, gsem0)
        pltpu.make_async_copy(hws_hbm.at[sidx1], rows1, gsem1).wait()
        pltpu.sync_copy(rows1, acc_sh.at[didx1], add=True)
        return carry

    lax.fori_loop(0, NCHUNK // 2 - 1, step, 0)
    pltpu.sync_copy(src_hbm.at[pl.ds(base + (NCHUNK - 1) * CH, CH)], sidx1)
    pltpu.sync_copy(dst_hbm.at[pl.ds(base + (NCHUNK - 1) * CH, CH)], didx1)
    pltpu.async_copy(hws_hbm.at[sidx1], rows1, gsem1)
    pltpu.make_async_copy(hws_hbm.at[sidx0], rows0, gsem0).wait()
    pltpu.sync_copy(rows0, acc_sh.at[didx0], add=True)
    pltpu.make_async_copy(hws_hbm.at[sidx1], rows1, gsem1).wait()
    pltpu.sync_copy(rows1, acc_sh.at[didx1], add=True)
    plsc.subcore_barrier()
    pltpu.sync_copy(acc_sh.at[pl.ds(sid * SLAB, SLAB)],
                    out_hbm.at[cid, pl.ds(sid * SLAB, SLAB)])


@functools.cache
def _build_sc():
    mesh = plsc.VectorSubcoreMesh(core_axis_name="c", subcore_axis_name="s",
                                  num_cores=NC, num_subcores=NS)
    deg_k = pl.kernel(
        _deg_body,
        out_type=jax.ShapeDtypeStruct((NC, NP, H), jnp.float32),
        mesh=mesh,
        scratch_types=[
            pltpu.VMEM((CH,), jnp.int32),
            pltpu.VMEM((CH, H), jnp.float32),
            pltpu.VMEM_SHARED((NP, H), jnp.float32),
        ],
    )
    spmm_k = pl.kernel(
        _spmm_body,
        out_type=jax.ShapeDtypeStruct((NC, NP, H), jnp.float32),
        mesh=mesh,
        scratch_types=[
            pltpu.VMEM((CH,), jnp.int32),
            pltpu.VMEM((CH,), jnp.int32),
            pltpu.VMEM((CH,), jnp.int32),
            pltpu.VMEM((CH,), jnp.int32),
            pltpu.VMEM((CH, H), jnp.float32),
            pltpu.VMEM((CH, H), jnp.float32),
            pltpu.VMEM_SHARED((NP, H), jnp.float32),
            pltpu.SemaphoreType.DMA,
            pltpu.SemaphoreType.DMA,
        ],
    )
    return deg_k, spmm_k


def _sc_degree(dst1, onesH, zerosH):
    return _build_sc()[0](dst1, onesH, zerosH)


def _sc_spmm(src1, dst1, hws, zerosH):
    return _build_sc()[1](src1, dst1, hws, zerosH)



def _dinv_block(deg_ref):
    deg = deg_ref[0, :, 0:1] + deg_ref[1, :, 0:1] + 1.0
    return lax.rsqrt(deg)


def _enc_body(x_ref, deg_ref, sw_ref, sb_ref, tw_ref, tb_ref, w1_ref, o_ref):
    i = pl.program_id(0)
    rowid = lax.broadcasted_iota(jnp.int32, (RB, 1), 0) + i * RB
    is_sig = rowid < NSIG
    w = jnp.where(is_sig, sw_ref[...], tw_ref[...])
    b = jnp.where(is_sig, sb_ref[...], tb_ref[...])
    h0 = jnp.maximum(x_ref[...] * w + b, 0.0)
    hw = jnp.dot(h0, w1_ref[...], preferred_element_type=jnp.float32)
    o_ref[...] = hw * _dinv_block(deg_ref)


def _tc_encode(x, deg, sw, sb, tw, tb, w1):
    return pl.pallas_call(
        _enc_body,
        grid=(GRID,),
        in_specs=[
            pl.BlockSpec((RB, 1), lambda i: (i, 0)),
            pl.BlockSpec((NC, RB, H), lambda i: (0, i, 0)),
            pl.BlockSpec((1, H), lambda i: (0, 0)),
            pl.BlockSpec((1, H), lambda i: (0, 0)),
            pl.BlockSpec((1, H), lambda i: (0, 0)),
            pl.BlockSpec((1, H), lambda i: (0, 0)),
            pl.BlockSpec((H, H), lambda i: (0, 0)),
        ],
        out_specs=pl.BlockSpec((RB, H), lambda i: (i, 0)),
        out_shape=jax.ShapeDtypeStruct((N, H), jnp.float32),
    )(x, deg, sw, sb, tw, tb, w1)


def _mid_body(acc_ref, hws_ref, deg_ref, b1_ref, w2_ref, o_ref):
    dinv = _dinv_block(deg_ref)
    m = acc_ref[0] + acc_ref[1] + hws_ref[...]
    g = jnp.maximum(m * dinv + b1_ref[...], 0.0)
    o_ref[...] = jnp.dot(g, w2_ref[...], preferred_element_type=jnp.float32) * dinv


def _tc_mid(acc, hws, deg, b1, w2):
    return pl.pallas_call(
        _mid_body,
        grid=(GRID,),
        in_specs=[
            pl.BlockSpec((NC, RB, H), lambda i: (0, i, 0)),
            pl.BlockSpec((RB, H), lambda i: (i, 0)),
            pl.BlockSpec((NC, RB, H), lambda i: (0, i, 0)),
            pl.BlockSpec((1, H), lambda i: (0, 0)),
            pl.BlockSpec((H, H), lambda i: (0, 0)),
        ],
        out_specs=pl.BlockSpec((RB, H), lambda i: (i, 0)),
        out_shape=jax.ShapeDtypeStruct((N, H), jnp.float32),
    )(acc, hws, deg, b1, w2)


def _final_body(acc_ref, hws_ref, deg_ref, b2_ref, batch_ref,
                w1_ref, b1_ref, w2_ref, bb2_ref, w3_ref, b3_ref,
                o_ref, sums, counts):
    i = pl.program_id(0)

    @pl.when(i == 0)
    def _():
        sums[...] = jnp.zeros_like(sums)
        counts[...] = jnp.zeros_like(counts)

    dinv = _dinv_block(deg_ref)
    h2 = (acc_ref[0] + acc_ref[1] + hws_ref[...]) * dinv + b2_ref[...]
    oh = (batch_ref[...] == lax.broadcasted_iota(jnp.int32, (RB, G), 1))
    oh = oh.astype(jnp.float32)
    dn = (((0,), (0,)), ((), ()))
    sums[...] += lax.dot_general(oh, h2, dn, preferred_element_type=jnp.float32)
    counts[...] += lax.dot_general(oh, jnp.ones((RB, H), jnp.float32), dn,
                                   preferred_element_type=jnp.float32)

    @pl.when(i == GRID - 1)
    def _():
        pooled = sums[...] / jnp.maximum(counts[...], 1.0)
        z = jnp.maximum(jnp.dot(pooled, w1_ref[...],
                                preferred_element_type=jnp.float32) + b1_ref[...], 0.0)
        z = jnp.maximum(jnp.dot(z, w2_ref[...],
                                preferred_element_type=jnp.float32) + bb2_ref[...], 0.0)
        o_ref[...] = jnp.dot(z, w3_ref[...],
                             preferred_element_type=jnp.float32) + b3_ref[...]


def _tc_final(acc, hws, deg, b2, batch2d, cw1, cb1, cw2, cb2, cw3, cb3):
    return pl.pallas_call(
        _final_body,
        grid=(GRID,),
        in_specs=[
            pl.BlockSpec((NC, RB, H), lambda i: (0, i, 0)),
            pl.BlockSpec((RB, H), lambda i: (i, 0)),
            pl.BlockSpec((NC, RB, H), lambda i: (0, i, 0)),
            pl.BlockSpec((1, H), lambda i: (0, 0)),
            pl.BlockSpec((RB, 1), lambda i: (i, 0)),
            pl.BlockSpec((H, H), lambda i: (0, 0)),
            pl.BlockSpec((1, H), lambda i: (0, 0)),
            pl.BlockSpec((H, H // 2), lambda i: (0, 0)),
            pl.BlockSpec((1, H // 2), lambda i: (0, 0)),
            pl.BlockSpec((H // 2, 4), lambda i: (0, 0)),
            pl.BlockSpec((1, 4), lambda i: (0, 0)),
        ],
        out_specs=pl.BlockSpec((G, 4), lambda i: (0, 0)),
        out_shape=jax.ShapeDtypeStruct((G, 4), jnp.float32),
        scratch_shapes=[
            pltpu.VMEM((G, H), jnp.float32),
            pltpu.VMEM((G, H), jnp.float32),
        ],
    )(acc, hws, deg, b2, batch2d, cw1, cb1, cw2, cb2, cw3, cb3)



def kernel(x, edge_index, batch, sig_W, sig_b, ts_W, ts_b,
           gcn_W1, gcn_b1, gcn_W2, gcn_b2,
           c_W1, c_b1, c_W2, c_b2, c_W3, c_b3):
    npad = EPAD - E
    src1 = jnp.concatenate([edge_index[0], jnp.zeros((npad,), jnp.int32)])
    dst1 = jnp.concatenate([edge_index[1], jnp.full((npad,), DUMP, jnp.int32)])
    onesH = jnp.ones((CH, H), jnp.float32)
    zerosH = jnp.zeros((ZR, H), jnp.float32)

    deg = _sc_degree(dst1, onesH, zerosH)
    hws1 = _tc_encode(x, deg, sig_W.reshape(1, H), sig_b.reshape(1, H),
                      ts_W.reshape(1, H), ts_b.reshape(1, H), gcn_W1)
    acc1 = _sc_spmm(src1, dst1, hws1, zerosH)
    hws2 = _tc_mid(acc1, hws1, deg, gcn_b1.reshape(1, H), gcn_W2)
    acc2 = _sc_spmm(src1, dst1, hws2, zerosH)
    return _tc_final(acc2, hws2, deg, gcn_b2.reshape(1, H),
                     batch.reshape(N, 1), c_W1, c_b1.reshape(1, H),
                     c_W2, c_b2.reshape(1, H // 2), c_W3, c_b3.reshape(1, 4))

# --- scband reference (transcript-rebuilt; emitter-appended) ---
"""Pipeline reference for scband-gait-gnn-61022895341874 (READ-ONLY COPY).

The authoritative reference and input builder live on the scoring server;
editing this copy changes nothing except your own understanding.
"""

import jax, jax.numpy as jnp
import numpy as np

N = 10000
E = 640000
H = 128
NUM_GRAPHS = 16
NUM_CLASSES = 4


def _lin_init(key, fan_in, fan_out):
    # xavier_uniform_ equivalent
    limit = np.sqrt(6.0 / (fan_in + fan_out))
    return jax.random.uniform(key, (fan_in, fan_out), dtype=jnp.float32, minval=-limit, maxval=limit)


def setup_inputs(seed: int = 0) -> dict:
    key = jax.random.key(seed)
    ks = jax.random.split(key, 16)
    x = jax.random.normal(ks[0], (N, 1), dtype=jnp.float32)
    edge_index = jax.random.randint(ks[1], (2, E), 0, N, dtype=jnp.int32)
    batch = jnp.sort(jax.random.randint(ks[2], (N,), 0, NUM_GRAPHS, dtype=jnp.int32))
    return {
        "x": x,
        "edge_index": edge_index,
        "batch": batch,
        "sig_W": _lin_init(ks[3], 1, H), "sig_b": jnp.zeros((H,), jnp.float32),
        "ts_W": _lin_init(ks[4], 1, H), "ts_b": jnp.zeros((H,), jnp.float32),
        "gcn_W1": _lin_init(ks[5], H, H), "gcn_b1": jnp.zeros((H,), jnp.float32),
        "gcn_W2": _lin_init(ks[6], H, H), "gcn_b2": jnp.zeros((H,), jnp.float32),
        "c_W1": _lin_init(ks[7], H, H), "c_b1": jnp.zeros((H,), jnp.float32),
        "c_W2": _lin_init(ks[8], H, H // 2), "c_b2": jnp.zeros((H // 2,), jnp.float32),
        "c_W3": _lin_init(ks[9], H // 2, NUM_CLASSES), "c_b3": jnp.zeros((NUM_CLASSES,), jnp.float32),
    }


def _gcn_conv(h, edge_index, W, b, num_nodes):
    # PyG GCNConv: add self-loops, symmetric normalization, linear transform, scatter-add
    src = edge_index[0]
    dst = edge_index[1]
    loop = jnp.arange(num_nodes, dtype=src.dtype)
    s = jnp.concatenate([src, loop])
    d = jnp.concatenate([dst, loop])
    hw = h @ W
    deg = jax.ops.segment_sum(jnp.ones_like(d, dtype=h.dtype), d, num_segments=num_nodes)
    dinv = jnp.where(deg > 0, 1.0 / jnp.sqrt(deg), 0.0)
    norm = dinv[s] * dinv[d]
    msgs = hw[s] * norm[:, None]
    out = jax.ops.segment_sum(msgs, d, num_segments=num_nodes)
    return out + b


def reference(x, edge_index, batch, sig_W, sig_b, ts_W, ts_b, gcn_W1, gcn_b1, gcn_W2, gcn_b2, c_W1, c_b1, c_W2, c_b2, c_W3, c_b3):
    total_nodes = x.shape[0]
    num_graphs = NUM_GRAPHS
    # model's fallback split (no num_signal_nodes attr on data)
    num_signal_nodes = int(total_nodes * 0.9 // num_graphs)
    sig = jnp.maximum(x[:num_signal_nodes] @ sig_W + sig_b, 0.0)
    ts = jnp.maximum(x[num_signal_nodes:] @ ts_W + ts_b, 0.0)
    h = jnp.concatenate([sig, ts], axis=0)
    # GNN layer 1 + ReLU (dropout is identity in eval mode)
    h = jnp.maximum(_gcn_conv(h, edge_index, gcn_W1, gcn_b1, total_nodes), 0.0)
    # GNN layer 2 (no activation after last layer)
    h = _gcn_conv(h, edge_index, gcn_W2, gcn_b2, total_nodes)
    # global_mean_pool
    sums = jax.ops.segment_sum(h, batch, num_segments=num_graphs)
    counts = jax.ops.segment_sum(jnp.ones((total_nodes,), h.dtype), batch, num_segments=num_graphs)
    pooled = sums / jnp.maximum(counts, 1.0)[:, None]
    z = jnp.maximum(pooled @ c_W1 + c_b1, 0.0)
    z = jnp.maximum(z @ c_W2 + c_b2, 0.0)
    logits = z @ c_W3 + c_b3
    return logits

if __name__ == "__main__":
    import jax
    _d = setup_inputs()
    print(jax.jit(kernel)(*tuple(_d.values())))

</pallas_src>

<mosaic_0001>
#map = affine_map<(d0, d1) -> (0)>
#map1 = affine_map<(d0, d1) -> (0, 0)>
#map2 = affine_map<(d0, d1) -> (0, 0, 0)>
module attributes {stable_mosaic.version = 14 : i64} {
  func.func @_spmm_body(%arg0: i32, %arg1: i32, %arg2: memref<647168xi32, #tpu.memory_space<hbm>>, %arg3: memref<647168xi32, #tpu.memory_space<hbm>>, %arg4: memref<10000x128xf32, #tpu.memory_space<hbm>>, %arg5: memref<128x128xf32, #tpu.memory_space<hbm>>, %arg6: memref<2x10240x128xf32, #tpu.memory_space<hbm>>, %arg7: memref<128xi32, #tpu.memory_space<vmem>>, %arg8: memref<128xi32, #tpu.memory_space<vmem>>, %arg9: memref<128xi32, #tpu.memory_space<vmem>>, %arg10: memref<128xi32, #tpu.memory_space<vmem>>, %arg11: memref<128x128xf32, #tpu.memory_space<vmem>>, %arg12: memref<128x128xf32, #tpu.memory_space<vmem>>, %arg13: memref<10240x128xf32, #tpu.memory_space<vmem_shared>>, %arg14: memref<!tpu.dma_semaphore, #tpu.memory_space<semaphore_mem>>, %arg15: memref<!tpu.dma_semaphore, #tpu.memory_space<semaphore_mem>>) attributes {dimension_semantics = [#tpu.dimension_semantics<core_parallel>, #tpu.dimension_semantics<subcore_parallel>], iteration_bounds = array<i64: 2, 16>, scalar_prefetch = 0 : i64, scratch_operands = 9 : i64, tpu.core_type = #tpu.core_type<sc_vector_subcore>, window_params = [{transform_indices = #map}, {transform_indices = #map}, {transform_indices = #map1}, {transform_indices = #map1}, {transform_indices = #map2}]} {
    %mul3A = arith.constant 2 : i32
    %mul3A_0 = arith.muli %arg1, %mul3A : i32
    %add3A = arith.addi %mul3A_0, %arg0 : i32
    %mul3A_1 = arith.constant 20224 : i32
    %mul3A_2 = arith.muli %add3A, %mul3A_1 : i32
    %mul3A_3 = arith.constant 640 : i32
    %mul3A_4 = arith.muli %arg1, %mul3A_3 : i32
    %add3A_5 = arith.constant 0 : i32
    %add3A_6 = arith.addi %mul3A_4, %add3A_5 : i32
    "tpu.region"() ({
      %run_scoped3A = tpu.sem_alloc : memref<!tpu.dma_semaphore, #tpu.memory_space<semaphore_mem>>
      %dma_start3A_47 = arith.constant 0 : i32
      %dma_start3A_48 = tpu.memref_slice %arg13[%add3A_6, %dma_start3A_47] : memref<10240x128xf32, #tpu.memory_space<vmem_shared>> -> memref<128x128xf32, #tpu.memory_space<vmem_shared>>
      tpu.enqueue_dma source(%arg5 : memref<128x128xf32, #tpu.memory_space<hbm>>) target(%dma_start3A_48 : memref<128x128xf32, #tpu.memory_space<vmem_shared>>) target_semaphore(%run_scoped3A : memref<!tpu.dma_semaphore, #tpu.memory_space<semaphore_mem>>)
      %dma_wait3A_49 = arith.constant 0 : i32
      %dma_wait3A_50 = tpu.memref_slice %arg13[%add3A_6, %dma_wait3A_49] : memref<10240x128xf32, #tpu.memory_space<vmem_shared>> -> memref<128x128xf32, #tpu.memory_space<vmem_shared>>
      tpu.wait_dma2 semaphore(%run_scoped3A : memref<!tpu.dma_semaphore, #tpu.memory_space<semaphore_mem>>) src(%arg5 : memref<128x128xf32, #tpu.memory_space<hbm>>) dst(%dma_wait3A_50 : memref<128x128xf32, #tpu.memory_space<vmem_shared>>)
      tpu.yield
    }) : () -> ()
    %mul3A_7 = arith.constant 640 : i32
    %mul3A_8 = arith.muli %arg1, %mul3A_7 : i32
    %add3A_9 = arith.constant 128 : i32
    %add3A_10 = arith.addi %mul3A_8, %add3A_9 : i32
    "tpu.region"() ({
      %run_scoped3A = tpu.sem_alloc : memref<!tpu.dma_semaphore, #tpu.memory_space<semaphore_mem>>
      %dma_start3A_47 = arith.constant 0 : i32
      %dma_start3A_48 = tpu.memref_slice %arg13[%add3A_10, %dma_start3A_47] : memref<10240x128xf32, #tpu.memory_space<vmem_shared>> -> memref<128x128xf32, #tpu.memory_space<vmem_shared>>
      tpu.enqueue_dma source(%arg5 : memref<128x128xf32, #tpu.memory_space<hbm>>) target(%dma_start3A_48 : memref<128x128xf32, #tpu.memory_space<vmem_shared>>) target_semaphore(%run_scoped3A : memref<!tpu.dma_semaphore, #tpu.memory_space<semaphore_mem>>)
      %dma_wait3A_49 = arith.constant 0 : i32
      %dma_wait3A_50 = tpu.memref_slice %arg13[%add3A_10, %dma_wait3A_49] : memref<10240x128xf32, #tpu.memory_space<vmem_shared>> -> memref<128x128xf32, #tpu.memory_space<vmem_shared>>
      tpu.wait_dma2 semaphore(%run_scoped3A : memref<!tpu.dma_semaphore, #tpu.memory_space<semaphore_mem>>) src(%arg5 : memref<128x128xf32, #tpu.memory_space<hbm>>) dst(%dma_wait3A_50 : memref<128x128xf32, #tpu.memory_space<vmem_shared>>)
      tpu.yield
    }) : () -> ()
    %mul3A_11 = arith.constant 640 : i32
    %mul3A_12 = arith.muli %arg1, %mul3A_11 : i32
    %add3A_13 = arith.constant 256 : i32
    %add3A_14 = arith.addi %mul3A_12, %add3A_13 : i32
    "tpu.region"() ({
      %run_scoped3A = tpu.sem_alloc : memref<!tpu.dma_semaphore, #tpu.memory_space<semaphore_mem>>
      %dma_start3A_47 = arith.constant 0 : i32
      %dma_start3A_48 = tpu.memref_slice %arg13[%add3A_14, %dma_start3A_47] : memref<10240x128xf32, #tpu.memory_space<vmem_shared>> -> memref<128x128xf32, #tpu.memory_space<vmem_shared>>
      tpu.enqueue_dma source(%arg5 : memref<128x128xf32, #tpu.memory_space<hbm>>) target(%dma_start3A_48 : memref<128x128xf32, #tpu.memory_space<vmem_shared>>) target_semaphore(%run_scoped3A : memref<!tpu.dma_semaphore, #tpu.memory_space<semaphore_mem>>)
      %dma_wait3A_49 = arith.constant 0 : i32
      %dma_wait3A_50 = tpu.memref_slice %arg13[%add3A_14, %dma_wait3A_49] : memref<10240x128xf32, #tpu.memory_space<vmem_shared>> -> memref<128x128xf32, #tpu.memory_space<vmem_shared>>
      tpu.wait_dma2 semaphore(%run_scoped3A : memref<!tpu.dma_semaphore, #tpu.memory_space<semaphore_mem>>) src(%arg5 : memref<128x128xf32, #tpu.memory_space<hbm>>) dst(%dma_wait3A_50 : memref<128x128xf32, #tpu.memory_space<vmem_shared>>)
      tpu.yield
    }) : () -> ()
    %mul3A_15 = arith.constant 640 : i32
    %mul3A_16 = arith.muli %arg1, %mul3A_15 : i32
    %add3A_17 = arith.constant 384 : i32
    %add3A_18 = arith.addi %mul3A_16, %add3A_17 : i32
    "tpu.region"() ({
      %run_scoped3A = tpu.sem_alloc : memref<!tpu.dma_semaphore, #tpu.memory_space<semaphore_mem>>
      %dma_start3A_47 = arith.constant 0 : i32
      %dma_start3A_48 = tpu.memref_slice %arg13[%add3A_18, %dma_start3A_47] : memref<10240x128xf32, #tpu.memory_space<vmem_shared>> -> memref<128x128xf32, #tpu.memory_space<vmem_shared>>
      tpu.enqueue_dma source(%arg5 : memref<128x128xf32, #tpu.memory_space<hbm>>) target(%dma_start3A_48 : memref<128x128xf32, #tpu.memory_space<vmem_shared>>) target_semaphore(%run_scoped3A : memref<!tpu.dma_semaphore, #tpu.memory_space<semaphore_mem>>)
      %dma_wait3A_49 = arith.constant 0 : i32
      %dma_wait3A_50 = tpu.memref_slice %arg13[%add3A_18, %dma_wait3A_49] : memref<10240x128xf32, #tpu.memory_space<vmem_shared>> -> memref<128x128xf32, #tpu.memory_space<vmem_shared>>
      tpu.wait_dma2 semaphore(%run_scoped3A : memref<!tpu.dma_semaphore, #tpu.memory_space<semaphore_mem>>) src(%arg5 : memref<128x128xf32, #tpu.memory_space<hbm>>) dst(%dma_wait3A_50 : memref<128x128xf32, #tpu.memory_space<vmem_shared>>)
      tpu.yield
    }) : () -> ()
    %mul3A_19 = arith.constant 640 : i32
    %mul3A_20 = arith.muli %arg1, %mul3A_19 : i32
    %add3A_21 = arith.constant 512 : i32
    %add3A_22 = arith.addi %mul3A_20, %add3A_21 : i32
    "tpu.region"() ({
      %run_scoped3A = tpu.sem_alloc : memref<!tpu.dma_semaphore, #tpu.memory_space<semaphore_mem>>
      %dma_start3A_47 = arith.constant 0 : i32
      %dma_start3A_48 = tpu.memref_slice %arg13[%add3A_22, %dma_start3A_47] : memref<10240x128xf32, #tpu.memory_space<vmem_shared>> -> memref<128x128xf32, #tpu.memory_space<vmem_shared>>
      tpu.enqueue_dma source(%arg5 : memref<128x128xf32, #tpu.memory_space<hbm>>) target(%dma_start3A_48 : memref<128x128xf32, #tpu.memory_space<vmem_shared>>) target_semaphore(%run_scoped3A : memref<!tpu.dma_semaphore, #tpu.memory_space<semaphore_mem>>)
      %dma_wait3A_49 = arith.constant 0 : i32
      %dma_wait3A_50 = tpu.memref_slice %arg13[%add3A_22, %dma_wait3A_49] : memref<10240x128xf32, #tpu.memory_space<vmem_shared>> -> memref<128x128xf32, #tpu.memory_space<vmem_shared>>
      tpu.wait_dma2 semaphore(%run_scoped3A : memref<!tpu.dma_semaphore, #tpu.memory_space<semaphore_mem>>) src(%arg5 : memref<128x128xf32, #tpu.memory_space<hbm>>) dst(%dma_wait3A_50 : memref<128x128xf32, #tpu.memory_space<vmem_shared>>)
      tpu.yield
    }) : () -> ()
    "tpu.region"() ({
      %run_scoped3A = tpu.sem_alloc : memref<!tpu.dma_semaphore, #tpu.memory_space<semaphore_mem>>
      %dma_start3A_47 = tpu.memref_slice %arg2[%mul3A_2] : memref<647168xi32, #tpu.memory_space<hbm>> -> memref<128xi32, #tpu.memory_space<hbm>>
      %dma_start3A_48 = tpu.memref_slice %arg2[%mul3A_2] : memref<647168xi32, #tpu.memory_space<hbm>> -> memref<128xi32, #tpu.memory_space<hbm>>
      tpu.enqueue_dma source(%dma_start3A_48 : memref<128xi32, #tpu.memory_space<hbm>>) target(%arg7 : memref<128xi32, #tpu.memory_space<vmem>>) target_semaphore(%run_scoped3A : memref<!tpu.dma_semaphore, #tpu.memory_space<semaphore_mem>>)
      %dma_wait3A_49 = tpu.memref_slice %arg2[%mul3A_2] : memref<647168xi32, #tpu.memory_space<hbm>> -> memref<128xi32, #tpu.memory_space<hbm>>
      %dma_wait3A_50 = tpu.memref_slice %arg2[%mul3A_2] : memref<647168xi32, #tpu.memory_space<hbm>> -> memref<128xi32, #tpu.memory_space<hbm>>
      tpu.wait_dma2 semaphore(%run_scoped3A : memref<!tpu.dma_semaphore, #tpu.memory_space<semaphore_mem>>) src(%dma_wait3A_50 : memref<128xi32, #tpu.memory_space<hbm>>) dst(%arg7 : memref<128xi32, #tpu.memory_space<vmem>>)
      tpu.yield
    }) : () -> ()
    "tpu.region"() ({
      %run_scoped3A = tpu.sem_alloc : memref<!tpu.dma_semaphore, #tpu.memory_space<semaphore_mem>>
      %dma_start3A_47 = tpu.memref_slice %arg3[%mul3A_2] : memref<647168xi32, #tpu.memory_space<hbm>> -> memref<128xi32, #tpu.memory_space<hbm>>
      %dma_start3A_48 = tpu.memref_slice %arg3[%mul3A_2] : memref<647168xi32, #tpu.memory_space<hbm>> -> memref<128xi32, #tpu.memory_space<hbm>>
      tpu.enqueue_dma source(%dma_start3A_48 : memref<128xi32, #tpu.memory_space<hbm>>) target(%arg9 : memref<128xi32, #tpu.memory_space<vmem>>) target_semaphore(%run_scoped3A : memref<!tpu.dma_semaphore, #tpu.memory_space<semaphore_mem>>)
      %dma_wait3A_49 = tpu.memref_slice %arg3[%mul3A_2] : memref<647168xi32, #tpu.memory_space<hbm>> -> memref<128xi32, #tpu.memory_space<hbm>>
      %dma_wait3A_50 = tpu.memref_slice %arg3[%mul3A_2] : memref<647168xi32, #tpu.memory_space<hbm>> -> memref<128xi32, #tpu.memory_space<hbm>>
      tpu.wait_dma2 semaphore(%run_scoped3A : memref<!tpu.dma_semaphore, #tpu.memory_space<semaphore_mem>>) src(%dma_wait3A_50 : memref<128xi32, #tpu.memory_space<hbm>>) dst(%arg9 : memref<128xi32, #tpu.memory_space<vmem>>)
      tpu.yield
    }) : () -> ()
    %dma_start3A = arith.constant 0 : i32
    %dma_start3A_23 = arith.constant 0 : i32
    %dma_start3A_24 = tpu.memref_slice %arg4[%dma_start3A, %dma_start3A_23] : memref<10000x128xf32, #tpu.memory_space<hbm>> -> memref<10000x128xf32, #tpu.memory_space<hbm>>
    tpu.enqueue_indirect_dma source(%dma_start3A_24 : memref<10000x128xf32, #tpu.memory_space<hbm>>) target(%arg11 : memref<128x128xf32, #tpu.memory_space<vmem>>) offsets(%arg7 : memref<128xi32, #tpu.memory_space<vmem>>) semaphore(%arg14 : memref<!tpu.dma_semaphore, #tpu.memory_space<semaphore_mem>>)
    %barrier3A = arith.constant 0 : index
    tpu.barrier barrier_id(%barrier3A)
    %scan3A = arith.constant 0 : i32
    %scan3A_25 = arith.constant 0 : i32
    %scan3A_26 = arith.constant 78 : i32
    %scan3A_27 = arith.addi %scan3A_25, %scan3A_26 : i32
    %scan3A_28 = arith.constant 1 : i32
    scf.for %scan3A_47 = %scan3A_25 to %scan3A_27 step %scan3A_28  : i32 {
      %mul3A_48 = arith.constant 2 : i32
      %mul3A_49 = arith.muli %mul3A_48, %scan3A_47 : i32
      %add3A_50 = arith.constant 1 : i32
      %add3A_51 = arith.addi %mul3A_49, %add3A_50 : i32
      %mul3A_52 = arith.constant 128 : i32
      %mul3A_53 = arith.muli %add3A_51, %mul3A_52 : i32
      %add3A_54 = arith.addi %mul3A_2, %mul3A_53 : i32
      "tpu.region"() ({
        %run_scoped3A = tpu.sem_alloc : memref<!tpu.dma_semaphore, #tpu.memory_space<semaphore_mem>>
        %dma_start3A_82 = tpu.memref_slice %arg2[%add3A_54] : memref<647168xi32, #tpu.memory_space<hbm>> -> memref<128xi32, #tpu.memory_space<hbm>>
        %dma_start3A_83 = tpu.memref_slice %arg2[%add3A_54] : memref<647168xi32, #tpu.memory_space<hbm>> -> memref<128xi32, #tpu.memory_space<hbm>>
        tpu.enqueue_dma source(%dma_start3A_83 : memref<128xi32, #tpu.memory_space<hbm>>) target(%arg8 : memref<128xi32, #tpu.memory_space<vmem>>) target_semaphore(%run_scoped3A : memref<!tpu.dma_semaphore, #tpu.memory_space<semaphore_mem>>)
        %dma_wait3A_84 = tpu.memref_slice %arg2[%add3A_54] : memref<647168xi32, #tpu.memory_space<hbm>> -> memref<128xi32, #tpu.memory_space<hbm>>
        %dma_wait3A_85 = tpu.memref_slice %arg2[%add3A_54] : memref<647168xi32, #tpu.memory_space<hbm>> -> memref<128xi32, #tpu.memory_space<hbm>>
        tpu.wait_dma2 semaphore(%run_scoped3A : memref<!tpu.dma_semaphore, #tpu.memory_space<semaphore_mem>>) src(%dma_wait3A_85 : memref<128xi32, #tpu.memory_space<hbm>>) dst(%arg8 : memref<128xi32, #tpu.memory_space<vmem>>)
        tpu.yield
      }) : () -> ()
      %add3A_55 = arith.constant 1 : i32
      %add3A_56 = arith.addi %mul3A_49, %add3A_55 : i32
      %mul3A_57 = arith.constant 128 : i32
      %mul3A_58 = arith.muli %add3A_56, %mul3A_57 : i32
      %add3A_59 = arith.addi %mul3A_2, %mul3A_58 : i32
      "tpu.region"() ({
        %run_scoped3A = tpu.sem_alloc : memref<!tpu.dma_semaphore, #tpu.memory_space<semaphore_mem>>
        %dma_start3A_82 = tpu.memref_slice %arg3[%add3A_59] : memref<647168xi32, #tpu.memory_space<hbm>> -> memref<128xi32, #tpu.memory_space<hbm>>
        %dma_start3A_83 = tpu.memref_slice %arg3[%add3A_59] : memref<647168xi32, #tpu.memory_space<hbm>> -> memref<128xi32, #tpu.memory_space<hbm>>
        tpu.enqueue_dma source(%dma_start3A_83 : memref<128xi32, #tpu.memory_space<hbm>>) target(%arg10 : memref<128xi32, #tpu.memory_space<vmem>>) target_semaphore(%run_scoped3A : memref<!tpu.dma_semaphore, #tpu.memory_space<semaphore_mem>>)
        %dma_wait3A_84 = tpu.memref_slice %arg3[%add3A_59] : memref<647168xi32, #tpu.memory_space<hbm>> -> memref<128xi32, #tpu.memory_space<hbm>>
        %dma_wait3A_85 = tpu.memref_slice %arg3[%add3A_59] : memref<647168xi32, #tpu.memory_space<hbm>> -> memref<128xi32, #tpu.memory_space<hbm>>
        tpu.wait_dma2 semaphore(%run_scoped3A : memref<!tpu.dma_semaphore, #tpu.memory_space<semaphore_mem>>) src(%dma_wait3A_85 : memref<128xi32, #tpu.memory_space<hbm>>) dst(%arg10 : memref<128xi32, #tpu.memory_space<vmem>>)
        tpu.yield
      }) : () -> ()
      %dma_start3A_60 = arith.constant 0 : i32
      %dma_start3A_61 = arith.constant 0 : i32
      %dma_start3A_62 = tpu.memref_slice %arg4[%dma_start3A_60, %dma_start3A_61] : memref<10000x128xf32, #tpu.memory_space<hbm>> -> memref<10000x128xf32, #tpu.memory_space<hbm>>
      tpu.enqueue_indirect_dma source(%dma_start3A_62 : memref<10000x128xf32, #tpu.memory_space<hbm>>) target(%arg12 : memref<128x128xf32, #tpu.memory_space<vmem>>) offsets(%arg8 : memref<128xi32, #tpu.memory_space<vmem>>) semaphore(%arg15 : memref<!tpu.dma_semaphore, #tpu.memory_space<semaphore_mem>>)
      %dma_wait3A_63 = arith.constant 0 : i32
      %dma_wait3A_64 = arith.constant 0 : i32
      %dma_wait3A_65 = tpu.memref_slice %arg4[%dma_wait3A_63, %dma_wait3A_64] : memref<10000x128xf32, #tpu.memory_space<hbm>> -> memref<10000x128xf32, #tpu.memory_space<hbm>>
      tpu.wait_indirect_dma semaphore(%arg14 : memref<!tpu.dma_semaphore, #tpu.memory_space<semaphore_mem>>) src(%dma_wait3A_65 : memref<10000x128xf32, #tpu.memory_space<hbm>>) dst(%arg11 : memref<128x128xf32, #tpu.memory_space<vmem>>)
      "tpu.region"() ({
        %run_scoped3A = tpu.sem_alloc : memref<!tpu.dma_semaphore, #tpu.memory_space<semaphore_mem>>
        %dma_start3A_82 = arith.constant 0 : i32
        %dma_start3A_83 = arith.constant 0 : i32
        %dma_start3A_84 = tpu.memref_slice %arg13[%dma_start3A_82, %dma_start3A_83] : memref<10240x128xf32, #tpu.memory_space<vmem_shared>> -> memref<10240x128xf32, #tpu.memory_space<vmem_shared>>
        tpu.enqueue_indirect_dma source(%arg11 : memref<128x128xf32, #tpu.memory_space<vmem>>) target(%dma_start3A_84 : memref<10240x128xf32, #tpu.memory_space<vmem_shared>>) offsets(%arg9 : memref<128xi32, #tpu.memory_space<vmem>>) semaphore(%run_scoped3A : memref<!tpu.dma_semaphore, #tpu.memory_space<semaphore_mem>>) {add = true}
        %dma_wait3A_85 = arith.constant 0 : i32
        %dma_wait3A_86 = arith.constant 0 : i32
        %dma_wait3A_87 = tpu.memref_slice %arg13[%dma_wait3A_85, %dma_wait3A_86] : memref<10240x128xf32, #tpu.memory_space<vmem_shared>> -> memref<10240x128xf32, #tpu.memory_space<vmem_shared>>
        tpu.wait_indirect_dma semaphore(%run_scoped3A : memref<!tpu.dma_semaphore, #tpu.memory_space<semaphore_mem>>) src(%arg11 : memref<128x128xf32, #tpu.memory_space<vmem>>) dst(%dma_wait3A_87 : memref<10240x128xf32, #tpu.memory_space<vmem_shared>>)
        tpu.yield
      }) : () -> ()
      %add3A_66 = arith.constant 2 : i32
      %add3A_67 = arith.addi %mul3A_49, %add3A_66 : i32
      %mul3A_68 = arith.constant 128 : i32
      %mul3A_69 = arith.muli %add3A_67, %mul3A_68 : i32
      %add3A_70 = arith.addi %mul3A_2, %mul3A_69 : i32
      "tpu.region"() ({
        %run_scoped3A = tpu.sem_alloc : memref<!tpu.dma_semaphore, #tpu.memory_space<semaphore_mem>>
        %dma_start3A_82 = tpu.memref_slice %arg2[%add3A_70] : memref<647168xi32, #tpu.memory_space<hbm>> -> memref<128xi32, #tpu.memory_space<hbm>>
        %dma_start3A_83 = tpu.memref_slice %arg2[%add3A_70] : memref<647168xi32, #tpu.memory_space<hbm>> -> memref<128xi32, #tpu.memory_space<hbm>>
        tpu.enqueue_dma source(%dma_start3A_83 : memref<128xi32, #tpu.memory_space<hbm>>) target(%arg7 : memref<128xi32, #tpu.memory_space<vmem>>) target_semaphore(%run_scoped3A : memref<!tpu.dma_semaphore, #tpu.memory_space<semaphore_mem>>)
        %dma_wait3A_84 = tpu.memref_slice %arg2[%add3A_70] : memref<647168xi32, #tpu.memory_space<hbm>> -> memref<128xi32, #tpu.memory_space<hbm>>
        %dma_wait3A_85 = tpu.memref_slice %arg2[%add3A_70] : memref<647168xi32, #tpu.memory_space<hbm>> -> memref<128xi32, #tpu.memory_space<hbm>>
        tpu.wait_dma2 semaphore(%run_scoped3A : memref<!tpu.dma_semaphore, #tpu.memory_space<semaphore_mem>>) src(%dma_wait3A_85 : memref<128xi32, #tpu.memory_space<hbm>>) dst(%arg7 : memref<128xi32, #tpu.memory_space<vmem>>)
        tpu.yield
      }) : () -> ()
      %add3A_71 = arith.constant 2 : i32
      %add3A_72 = arith.addi %mul3A_49, %add3A_71 : i32
      %mul3A_73 = arith.constant 128 : i32
      %mul3A_74 = arith.muli %add3A_72, %mul3A_73 : i32
      %add3A_75 = arith.addi %mul3A_2, %mul3A_74 : i32
      "tpu.region"() ({
        %run_scoped3A = tpu.sem_alloc : memref<!tpu.dma_semaphore, #tpu.memory_space<semaphore_mem>>
        %dma_start3A_82 = tpu.memref_slice %arg3[%add3A_75] : memref<647168xi32, #tpu.memory_space<hbm>> -> memref<128xi32, #tpu.memory_space<hbm>>
        %dma_start3A_83 = tpu.memref_slice %arg3[%add3A_75] : memref<647168xi32, #tpu.memory_space<hbm>> -> memref<128xi32, #tpu.memory_space<hbm>>
        tpu.enqueue_dma source(%dma_start3A_83 : memref<128xi32, #tpu.memory_space<hbm>>) target(%arg9 : memref<128xi32, #tpu.memory_space<vmem>>) target_semaphore(%run_scoped3A : memref<!tpu.dma_semaphore, #tpu.memory_space<semaphore_mem>>)
        %dma_wait3A_84 = tpu.memref_slice %arg3[%add3A_75] : memref<647168xi32, #tpu.memory_space<hbm>> -> memref<128xi32, #tpu.memory_space<hbm>>
        %dma_wait3A_85 = tpu.memref_slice %arg3[%add3A_75] : memref<647168xi32, #tpu.memory_space<hbm>> -> memref<128xi32, #tpu.memory_space<hbm>>
        tpu.wait_dma2 semaphore(%run_scoped3A : memref<!tpu.dma_semaphore, #tpu.memory_space<semaphore_mem>>) src(%dma_wait3A_85 : memref<128xi32, #tpu.memory_space<hbm>>) dst(%arg9 : memref<128xi32, #tpu.memory_space<vmem>>)
        tpu.yield
      }) : () -> ()
      %dma_start3A_76 = arith.constant 0 : i32
      %dma_start3A_77 = arith.constant 0 : i32
      %dma_start3A_78 = tpu.memref_slice %arg4[%dma_start3A_76, %dma_start3A_77] : memref<10000x128xf32, #tpu.memory_space<hbm>> -> memref<10000x128xf32, #tpu.memory_space<hbm>>
      tpu.enqueue_indirect_dma source(%dma_start3A_78 : memref<10000x128xf32, #tpu.memory_space<hbm>>) target(%arg11 : memref<128x128xf32, #tpu.memory_space<vmem>>) offsets(%arg7 : memref<128xi32, #tpu.memory_space<vmem>>) semaphore(%arg14 : memref<!tpu.dma_semaphore, #tpu.memory_space<semaphore_mem>>)
      %dma_wait3A_79 = arith.constant 0 : i32
      %dma_wait3A_80 = arith.constant 0 : i32
      %dma_wait3A_81 = tpu.memref_slice %arg4[%dma_wait3A_79, %dma_wait3A_80] : memref<10000x128xf32, #tpu.memory_space<hbm>> -> memref<10000x128xf32, #tpu.memory_space<hbm>>
      tpu.wait_indirect_dma semaphore(%arg15 : memref<!tpu.dma_semaphore, #tpu.memory_space<semaphore_mem>>) src(%dma_wait3A_81 : memref<10000x128xf32, #tpu.memory_space<hbm>>) dst(%arg12 : memref<128x128xf32, #tpu.memory_space<vmem>>)
      "tpu.region"() ({
        %run_scoped3A = tpu.sem_alloc : memref<!tpu.dma_semaphore, #tpu.memory_space<semaphore_mem>>
        %dma_start3A_82 = arith.constant 0 : i32
        %dma_start3A_83 = arith.constant 0 : i32
        %dma_start3A_84 = tpu.memref_slice %arg13[%dma_start3A_82, %dma_start3A_83] : memref<10240x128xf32, #tpu.memory_space<vmem_shared>> -> memref<10240x128xf32, #tpu.memory_space<vmem_shared>>
        tpu.enqueue_indirect_dma source(%arg12 : memref<128x128xf32, #tpu.memory_space<vmem>>) target(%dma_start3A_84 : memref<10240x128xf32, #tpu.memory_space<vmem_shared>>) offsets(%arg10 : memref<128xi32, #tpu.memory_space<vmem>>) semaphore(%run_scoped3A : memref<!tpu.dma_semaphore, #tpu.memory_space<semaphore_mem>>) {add = true}
        %dma_wait3A_85 = arith.constant 0 : i32
        %dma_wait3A_86 = arith.constant 0 : i32
        %dma_wait3A_87 = tpu.memref_slice %arg13[%dma_wait3A_85, %dma_wait3A_86] : memref<10240x128xf32, #tpu.memory_space<vmem_shared>> -> memref<10240x128xf32, #tpu.memory_space<vmem_shared>>
        tpu.wait_indirect_dma semaphore(%run_scoped3A : memref<!tpu.dma_semaphore, #tpu.memory_space<semaphore_mem>>) src(%arg12 : memref<128x128xf32, #tpu.memory_space<vmem>>) dst(%dma_wait3A_87 : memref<10240x128xf32, #tpu.memory_space<vmem_shared>>)
        tpu.yield
      }) : () -> ()
    }
    %scan3A_29 = arith.constant 78 : i32
    %add3A_30 = arith.constant 20096 : i32
    %add3A_31 = arith.addi %mul3A_2, %add3A_30 : i32
    "tpu.region"() ({
      %run_scoped3A = tpu.sem_alloc : memref<!tpu.dma_semaphore, #tpu.memory_space<semaphore_mem>>
      %dma_start3A_47 = tpu.memref_slice %arg2[%add3A_31] : memref<647168xi32, #tpu.memory_space<hbm>> -> memref<128xi32, #tpu.memory_space<hbm>>
      %dma_start3A_48 = tpu.memref_slice %arg2[%add3A_31] : memref<647168xi32, #tpu.memory_space<hbm>> -> memref<128xi32, #tpu.memory_space<hbm>>
      tpu.enqueue_dma source(%dma_start3A_48 : memref<128xi32, #tpu.memory_space<hbm>>) target(%arg8 : memref<128xi32, #tpu.memory_space<vmem>>) target_semaphore(%run_scoped3A : memref<!tpu.dma_semaphore, #tpu.memory_space<semaphore_mem>>)
      %dma_wait3A_49 = tpu.memref_slice %arg2[%add3A_31] : memref<647168xi32, #tpu.memory_space<hbm>> -> memref<128xi32, #tpu.memory_space<hbm>>
      %dma_wait3A_50 = tpu.memref_slice %arg2[%add3A_31] : memref<647168xi32, #tpu.memory_space<hbm>> -> memref<128xi32, #tpu.memory_space<hbm>>
      tpu.wait_dma2 semaphore(%run_scoped3A : memref<!tpu.dma_semaphore, #tpu.memory_space<semaphore_mem>>) src(%dma_wait3A_50 : memref<128xi32, #tpu.memory_space<hbm>>) dst(%arg8 : memref<128xi32, #tpu.memory_space<vmem>>)
      tpu.yield
    }) : () -> ()
    %add3A_32 = arith.constant 20096 : i32
    %add3A_33 = arith.addi %mul3A_2, %add3A_32 : i32
    "tpu.region"() ({
      %run_scoped3A = tpu.sem_alloc : memref<!tpu.dma_semaphore, #tpu.memory_space<semaphore_mem>>
      %dma_start3A_47 = tpu.memref_slice %arg3[%add3A_33] : memref<647168xi32, #tpu.memory_space<hbm>> -> memref<128xi32, #tpu.memory_space<hbm>>
      %dma_start3A_48 = tpu.memref_slice %arg3[%add3A_33] : memref<647168xi32, #tpu.memory_space<hbm>> -> memref<128xi32, #tpu.memory_space<hbm>>
      tpu.enqueue_dma source(%dma_start3A_48 : memref<128xi32, #tpu.memory_space<hbm>>) target(%arg10 : memref<128xi32, #tpu.memory_space<vmem>>) target_semaphore(%run_scoped3A : memref<!tpu.dma_semaphore, #tpu.memory_space<semaphore_mem>>)
      %dma_wait3A_49 = tpu.memref_slice %arg3[%add3A_33] : memref<647168xi32, #tpu.memory_space<hbm>> -> memref<128xi32, #tpu.memory_space<hbm>>
      %dma_wait3A_50 = tpu.memref_slice %arg3[%add3A_33] : memref<647168xi32, #tpu.memory_space<hbm>> -> memref<128xi32, #tpu.memory_space<hbm>>
      tpu.wait_dma2 semaphore(%run_scoped3A : memref<!tpu.dma_semaphore, #tpu.memory_space<semaphore_mem>>) src(%dma_wait3A_50 : memref<128xi32, #tpu.memory_space<hbm>>) dst(%arg10 : memref<128xi32, #tpu.memory_space<vmem>>)
      tpu.yield
    }) : () -> ()
    %dma_start3A_34 = arith.constant 0 : i32
    %dma_start3A_35 = arith.constant 0 : i32
    %dma_start3A_36 = tpu.memref_slice %arg4[%dma_start3A_34, %dma_start3A_35] : memref<10000x128xf32, #tpu.memory_space<hbm>> -> memref<10000x128xf32, #tpu.memory_space<hbm>>
    tpu.enqueue_indirect_dma source(%dma_start3A_36 : memref<10000x128xf32, #tpu.memory_space<hbm>>) target(%arg12 : memref<128x128xf32, #tpu.memory_space<vmem>>) offsets(%arg8 : memref<128xi32, #tpu.memory_space<vmem>>) semaphore(%arg15 : memref<!tpu.dma_semaphore, #tpu.memory_space<semaphore_mem>>)
    %dma_wait3A = arith.constant 0 : i32
    %dma_wait3A_37 = arith.constant 0 : i32
    %dma_wait3A_38 = tpu.memref_slice %arg4[%dma_wait3A, %dma_wait3A_37] : memref<10000x128xf32, #tpu.memory_space<hbm>> -> memref<10000x128xf32, #tpu.memory_space<hbm>>
    tpu.wait_indirect_dma semaphore(%arg14 : memref<!tpu.dma_semaphore, #tpu.memory_space<semaphore_mem>>) src(%dma_wait3A_38 : memref<10000x128xf32, #tpu.memory_space<hbm>>) dst(%arg11 : memref<128x128xf32, #tpu.memory_space<vmem>>)
    "tpu.region"() ({
      %run_scoped3A = tpu.sem_alloc : memref<!tpu.dma_semaphore, #tpu.memory_space<semaphore_mem>>
      %dma_start3A_47 = arith.constant 0 : i32
      %dma_start3A_48 = arith.constant 0 : i32
      %dma_start3A_49 = tpu.memref_slice %arg13[%dma_start3A_47, %dma_start3A_48] : memref<10240x128xf32, #tpu.memory_space<vmem_shared>> -> memref<10240x128xf32, #tpu.memory_space<vmem_shared>>
      tpu.enqueue_indirect_dma source(%arg11 : memref<128x128xf32, #tpu.memory_space<vmem>>) target(%dma_start3A_49 : memref<10240x128xf32, #tpu.memory_space<vmem_shared>>) offsets(%arg9 : memref<128xi32, #tpu.memory_space<vmem>>) semaphore(%run_scoped3A : memref<!tpu.dma_semaphore, #tpu.memory_space<semaphore_mem>>) {add = true}
      %dma_wait3A_50 = arith.constant 0 : i32
      %dma_wait3A_51 = arith.constant 0 : i32
      %dma_wait3A_52 = tpu.memref_slice %arg13[%dma_wait3A_50, %dma_wait3A_51] : memref<10240x128xf32, #tpu.memory_space<vmem_shared>> -> memref<10240x128xf32, #tpu.memory_space<vmem_shared>>
      tpu.wait_indirect_dma semaphore(%run_scoped3A : memref<!tpu.dma_semaphore, #tpu.memory_space<semaphore_mem>>) src(%arg11 : memref<128x128xf32, #tpu.memory_space<vmem>>) dst(%dma_wait3A_52 : memref<10240x128xf32, #tpu.memory_space<vmem_shared>>)
      tpu.yield
    }) : () -> ()
    %dma_wait3A_39 = arith.constant 0 : i32
    %dma_wait3A_40 = arith.constant 0 : i32
    %dma_wait3A_41 = tpu.memref_slice %arg4[%dma_wait3A_39, %dma_wait3A_40] : memref<10000x128xf32, #tpu.memory_space<hbm>> -> memref<10000x128xf32, #tpu.memory_space<hbm>>
    tpu.wait_indirect_dma semaphore(%arg15 : memref<!tpu.dma_semaphore, #tpu.memory_space<semaphore_mem>>) src(%dma_wait3A_41 : memref<10000x128xf32, #tpu.memory_space<hbm>>) dst(%arg12 : memref<128x128xf32, #tpu.memory_space<vmem>>)
    "tpu.region"() ({
      %run_scoped3A = tpu.sem_alloc : memref<!tpu.dma_semaphore, #tpu.memory_space<semaphore_mem>>
      %dma_start3A_47 = arith.constant 0 : i32
      %dma_start3A_48 = arith.constant 0 : i32
      %dma_start3A_49 = tpu.memref_slice %arg13[%dma_start3A_47, %dma_start3A_48] : memref<10240x128xf32, #tpu.memory_space<vmem_shared>> -> memref<10240x128xf32, #tpu.memory_space<vmem_shared>>
      tpu.enqueue_indirect_dma source(%arg12 : memref<128x128xf32, #tpu.memory_space<vmem>>) target(%dma_start3A_49 : memref<10240x128xf32, #tpu.memory_space<vmem_shared>>) offsets(%arg10 : memref<128xi32, #tpu.memory_space<vmem>>) semaphore(%run_scoped3A : memref<!tpu.dma_semaphore, #tpu.memory_space<semaphore_mem>>) {add = true}
      %dma_wait3A_50 = arith.constant 0 : i32
      %dma_wait3A_51 = arith.constant 0 : i32
      %dma_wait3A_52 = tpu.memref_slice %arg13[%dma_wait3A_50, %dma_wait3A_51] : memref<10240x128xf32, #tpu.memory_space<vmem_shared>> -> memref<10240x128xf32, #tpu.memory_space<vmem_shared>>
      tpu.wait_indirect_dma semaphore(%run_scoped3A : memref<!tpu.dma_semaphore, #tpu.memory_space<semaphore_mem>>) src(%arg12 : memref<128x128xf32, #tpu.memory_space<vmem>>) dst(%dma_wait3A_52 : memref<10240x128xf32, #tpu.memory_space<vmem_shared>>)
      tpu.yield
    }) : () -> ()
    %barrier3A_42 = arith.constant 0 : index
    tpu.barrier barrier_id(%barrier3A_42)
    %mul3A_43 = arith.constant 640 : i32
    %mul3A_44 = arith.muli %arg1, %mul3A_43 : i32
    %mul3A_45 = arith.constant 640 : i32
    %mul3A_46 = arith.muli %arg1, %mul3A_45 : i32
    "tpu.region"() ({
      %run_scoped3A = tpu.sem_alloc : memref<!tpu.dma_semaphore, #tpu.memory_space<semaphore_mem>>
      %dma_start3A_47 = arith.constant 0 : i32
      %dma_start3A_48 = tpu.memref_slice %arg6[%arg0, %mul3A_46, %dma_start3A_47] : memref<2x10240x128xf32, #tpu.memory_space<hbm>> -> memref<1x640x128xf32, #tpu.memory_space<hbm>>
      %dma_start3A_49 = tpu.memref_squeeze %dma_start3A_48 : memref<1x640x128xf32, #tpu.memory_space<hbm>> -> memref<640x128xf32, #tpu.memory_space<hbm>>
      %dma_start3A_50 = arith.constant 0 : i32
      %dma_start3A_51 = tpu.memref_slice %arg13[%mul3A_44, %dma_start3A_50] : memref<10240x128xf32, #tpu.memory_space<vmem_shared>> -> memref<640x128xf32, #tpu.memory_space<vmem_shared>>
      tpu.enqueue_dma source(%dma_start3A_51 : memref<640x128xf32, #tpu.memory_space<vmem_shared>>) target(%dma_start3A_49 : memref<640x128xf32, #tpu.memory_space<hbm>>) target_semaphore(%run_scoped3A : memref<!tpu.dma_semaphore, #tpu.memory_space<semaphore_mem>>)
      %dma_wait3A_52 = arith.constant 0 : i32
      %dma_wait3A_53 = tpu.memref_slice %arg6[%arg0, %mul3A_46, %dma_wait3A_52] : memref<2x10240x128xf32, #tpu.memory_space<hbm>> -> memref<1x640x128xf32, #tpu.memory_space<hbm>>
      %dma_wait3A_54 = tpu.memref_squeeze %dma_wait3A_53 : memref<1x640x128xf32, #tpu.memory_space<hbm>> -> memref<640x128xf32, #tpu.memory_space<hbm>>
      %dma_wait3A_55 = arith.constant 0 : i32
      %dma_wait3A_56 = tpu.memref_slice %arg13[%mul3A_44, %dma_wait3A_55] : memref<10240x128xf32, #tpu.memory_space<vmem_shared>> -> memref<640x128xf32, #tpu.memory_space<vmem_shared>>
      tpu.wait_dma2 semaphore(%run_scoped3A : memref<!tpu.dma_semaphore, #tpu.memory_space<semaphore_mem>>) src(%dma_wait3A_56 : memref<640x128xf32, #tpu.memory_space<vmem_shared>>) dst(%dma_wait3A_54 : memref<640x128xf32, #tpu.memory_space<hbm>>)
      tpu.yield
    }) : () -> ()
    return
  }
}

#map = affine_map<(d0, d1) -> (0)>
#map1 = affine_map<(d0, d1) -> (0, 0)>
#map2 = affine_map<(d0, d1) -> (0, 0, 0)>
module attributes {stable_mosaic.version = 14 : i64} {
  func.func @_spmm_body(%arg0: i32, %arg1: i32, %arg2: memref<647168xi32, #tpu.memory_space<hbm>>, %arg3: memref<647168xi32, #tpu.memory_space<hbm>>, %arg4: memref<10000x128xf32, #tpu.memory_space<hbm>>, %arg5: memref<128x128xf32, #tpu.memory_space<hbm>>, %arg6: memref<2x10240x128xf32, #tpu.memory_space<hbm>>, %arg7: memref<128xi32, #tpu.memory_space<vmem>>, %arg8: memref<128xi32, #tpu.memory_space<vmem>>, %arg9: memref<128xi32, #tpu.memory_space<vmem>>, %arg10: memref<128xi32, #tpu.memory_space<vmem>>, %arg11: memref<128x128xf32, #tpu.memory_space<vmem>>, %arg12: memref<128x128xf32, #tpu.memory_space<vmem>>, %arg13: memref<10240x128xf32, #tpu.memory_space<vmem_shared>>, %arg14: memref<!tpu.dma_semaphore, #tpu.memory_space<semaphore_mem>>, %arg15: memref<!tpu.dma_semaphore, #tpu.memory_space<semaphore_mem>>) attributes {dimension_semantics = [#tpu.dimension_semantics<core_parallel>, #tpu.dimension_semantics<subcore_parallel>], iteration_bounds = array<i64: 2, 16>, scalar_prefetch = 0 : i64, scratch_operands = 9 : i64, tpu.core_type = #tpu.core_type<sc_vector_subcore>, window_params = [{transform_indices = #map}, {transform_indices = #map}, {transform_indices = #map1}, {transform_indices = #map1}, {transform_indices = #map2}]} {
    %mul3A = arith.constant 2 : i32
    %mul3A_0 = arith.muli %arg1, %mul3A : i32
    %add3A = arith.addi %mul3A_0, %arg0 : i32
    %mul3A_1 = arith.constant 20224 : i32
    %mul3A_2 = arith.muli %add3A, %mul3A_1 : i32
    %mul3A_3 = arith.constant 640 : i32
    %mul3A_4 = arith.muli %arg1, %mul3A_3 : i32
    %add3A_5 = arith.constant 0 : i32
    %add3A_6 = arith.addi %mul3A_4, %add3A_5 : i32
    "tpu.region"() ({
      %run_scoped3A = tpu.sem_alloc : memref<!tpu.dma_semaphore, #tpu.memory_space<semaphore_mem>>
      %dma_start3A_47 = arith.constant 0 : i32
      %dma_start3A_48 = tpu.memref_slice %arg13[%add3A_6, %dma_start3A_47] : memref<10240x128xf32, #tpu.memory_space<vmem_shared>> -> memref<128x128xf32, #tpu.memory_space<vmem_shared>>
      tpu.enqueue_dma source(%arg5 : memref<128x128xf32, #tpu.memory_space<hbm>>) target(%dma_start3A_48 : memref<128x128xf32, #tpu.memory_space<vmem_shared>>) target_semaphore(%run_scoped3A : memref<!tpu.dma_semaphore, #tpu.memory_space<semaphore_mem>>)
      %dma_wait3A_49 = arith.constant 0 : i32
      %dma_wait3A_50 = tpu.memref_slice %arg13[%add3A_6, %dma_wait3A_49] : memref<10240x128xf32, #tpu.memory_space<vmem_shared>> -> memref<128x128xf32, #tpu.memory_space<vmem_shared>>
      tpu.wait_dma2 semaphore(%run_scoped3A : memref<!tpu.dma_semaphore, #tpu.memory_space<semaphore_mem>>) src(%arg5 : memref<128x128xf32, #tpu.memory_space<hbm>>) dst(%dma_wait3A_50 : memref<128x128xf32, #tpu.memory_space<vmem_shared>>)
      tpu.yield
    }) : () -> ()
    %mul3A_7 = arith.constant 640 : i32
    %mul3A_8 = arith.muli %arg1, %mul3A_7 : i32
    %add3A_9 = arith.constant 128 : i32
    %add3A_10 = arith.addi %mul3A_8, %add3A_9 : i32
    "tpu.region"() ({
      %run_scoped3A = tpu.sem_alloc : memref<!tpu.dma_semaphore, #tpu.memory_space<semaphore_mem>>
      %dma_start3A_47 = arith.constant 0 : i32
      %dma_start3A_48 = tpu.memref_slice %arg13[%add3A_10, %dma_start3A_47] : memref<10240x128xf32, #tpu.memory_space<vmem_shared>> -> memref<128x128xf32, #tpu.memory_space<vmem_shared>>
      tpu.enqueue_dma source(%arg5 : memref<128x128xf32, #tpu.memory_space<hbm>>) target(%dma_start3A_48 : memref<128x128xf32, #tpu.memory_space<vmem_shared>>) target_semaphore(%run_scoped3A : memref<!tpu.dma_semaphore, #tpu.memory_space<semaphore_mem>>)
      %dma_wait3A_49 = arith.constant 0 : i32
      %dma_wait3A_50 = tpu.memref_slice %arg13[%add3A_10, %dma_wait3A_49] : memref<10240x128xf32, #tpu.memory_space<vmem_shared>> -> memref<128x128xf32, #tpu.memory_space<vmem_shared>>
      tpu.wait_dma2 semaphore(%run_scoped3A : memref<!tpu.dma_semaphore, #tpu.memory_space<semaphore_mem>>) src(%arg5 : memref<128x128xf32, #tpu.memory_space<hbm>>) dst(%dma_wait3A_50 : memref<128x128xf32, #tpu.memory_space<vmem_shared>>)
      tpu.yield
    }) : () -> ()
    %mul3A_11 = arith.constant 640 : i32
    %mul3A_12 = arith.muli %arg1, %mul3A_11 : i32
    %add3A_13 = arith.constant 256 : i32
    %add3A_14 = arith.addi %mul3A_12, %add3A_13 : i32
    "tpu.region"() ({
      %run_scoped3A = tpu.sem_alloc : memref<!tpu.dma_semaphore, #tpu.memory_space<semaphore_mem>>
      %dma_start3A_47 = arith.constant 0 : i32
      %dma_start3A_48 = tpu.memref_slice %arg13[%add3A_14, %dma_start3A_47] : memref<10240x128xf32, #tpu.memory_space<vmem_shared>> -> memref<128x128xf32, #tpu.memory_space<vmem_shared>>
      tpu.enqueue_dma source(%arg5 : memref<128x128xf32, #tpu.memory_space<hbm>>) target(%dma_start3A_48 : memref<128x128xf32, #tpu.memory_space<vmem_shared>>) target_semaphore(%run_scoped3A : memref<!tpu.dma_semaphore, #tpu.memory_space<semaphore_mem>>)
      %dma_wait3A_49 = arith.constant 0 : i32
      %dma_wait3A_50 = tpu.memref_slice %arg13[%add3A_14, %dma_wait3A_49] : memref<10240x128xf32, #tpu.memory_space<vmem_shared>> -> memref<128x128xf32, #tpu.memory_space<vmem_shared>>
      tpu.wait_dma2 semaphore(%run_scoped3A : memref<!tpu.dma_semaphore, #tpu.memory_space<semaphore_mem>>) src(%arg5 : memref<128x128xf32, #tpu.memory_space<hbm>>) dst(%dma_wait3A_50 : memref<128x128xf32, #tpu.memory_space<vmem_shared>>)
      tpu.yield
    }) : () -> ()
    %mul3A_15 = arith.constant 640 : i32
    %mul3A_16 = arith.muli %arg1, %mul3A_15 : i32
    %add3A_17 = arith.constant 384 : i32
    %add3A_18 = arith.addi %mul3A_16, %add3A_17 : i32
    "tpu.region"() ({
      %run_scoped3A = tpu.sem_alloc : memref<!tpu.dma_semaphore, #tpu.memory_space<semaphore_mem>>
      %dma_start3A_47 = arith.constant 0 : i32
      %dma_start3A_48 = tpu.memref_slice %arg13[%add3A_18, %dma_start3A_47] : memref<10240x128xf32, #tpu.memory_space<vmem_shared>> -> memref<128x128xf32, #tpu.memory_space<vmem_shared>>
      tpu.enqueue_dma source(%arg5 : memref<128x128xf32, #tpu.memory_space<hbm>>) target(%dma_start3A_48 : memref<128x128xf32, #tpu.memory_space<vmem_shared>>) target_semaphore(%run_scoped3A : memref<!tpu.dma_semaphore, #tpu.memory_space<semaphore_mem>>)
      %dma_wait3A_49 = arith.constant 0 : i32
      %dma_wait3A_50 = tpu.memref_slice %arg13[%add3A_18, %dma_wait3A_49] : memref<10240x128xf32, #tpu.memory_space<vmem_shared>> -> memref<128x128xf32, #tpu.memory_space<vmem_shared>>
      tpu.wait_dma2 semaphore(%run_scoped3A : memref<!tpu.dma_semaphore, #tpu.memory_space<semaphore_mem>>) src(%arg5 : memref<128x128xf32, #tpu.memory_space<hbm>>) dst(%dma_wait3A_50 : memref<128x128xf32, #tpu.memory_space<vmem_shared>>)
      tpu.yield
    }) : () -> ()
    %mul3A_19 = arith.constant 640 : i32
    %mul3A_20 = arith.muli %arg1, %mul3A_19 : i32
    %add3A_21 = arith.constant 512 : i32
    %add3A_22 = arith.addi %mul3A_20, %add3A_21 : i32
    "tpu.region"() ({
      %run_scoped3A = tpu.sem_alloc : memref<!tpu.dma_semaphore, #tpu.memory_space<semaphore_mem>>
      %dma_start3A_47 = arith.constant 0 : i32
      %dma_start3A_48 = tpu.memref_slice %arg13[%add3A_22, %dma_start3A_47] : memref<10240x128xf32, #tpu.memory_space<vmem_shared>> -> memref<128x128xf32, #tpu.memory_space<vmem_shared>>
      tpu.enqueue_dma source(%arg5 : memref<128x128xf32, #tpu.memory_space<hbm>>) target(%dma_start3A_48 : memref<128x128xf32, #tpu.memory_space<vmem_shared>>) target_semaphore(%run_scoped3A : memref<!tpu.dma_semaphore, #tpu.memory_space<semaphore_mem>>)
      %dma_wait3A_49 = arith.constant 0 : i32
      %dma_wait3A_50 = tpu.memref_slice %arg13[%add3A_22, %dma_wait3A_49] : memref<10240x128xf32, #tpu.memory_space<vmem_shared>> -> memref<128x128xf32, #tpu.memory_space<vmem_shared>>
      tpu.wait_dma2 semaphore(%run_scoped3A : memref<!tpu.dma_semaphore, #tpu.memory_space<semaphore_mem>>) src(%arg5 : memref<128x128xf32, #tpu.memory_space<hbm>>) dst(%dma_wait3A_50 : memref<128x128xf32, #tpu.memory_space<vmem_shared>>)
      tpu.yield
    }) : () -> ()
    "tpu.region"() ({
      %run_scoped3A = tpu.sem_alloc : memref<!tpu.dma_semaphore, #tpu.memory_space<semaphore_mem>>
      %dma_start3A_47 = tpu.memref_slice %arg2[%mul3A_2] : memref<647168xi32, #tpu.memory_space<hbm>> -> memref<128xi32, #tpu.memory_space<hbm>>
      %dma_start3A_48 = tpu.memref_slice %arg2[%mul3A_2] : memref<647168xi32, #tpu.memory_space<hbm>> -> memref<128xi32, #tpu.memory_space<hbm>>
      tpu.enqueue_dma source(%dma_start3A_48 : memref<128xi32, #tpu.memory_space<hbm>>) target(%arg7 : memref<128xi32, #tpu.memory_space<vmem>>) target_semaphore(%run_scoped3A : memref<!tpu.dma_semaphore, #tpu.memory_space<semaphore_mem>>)
      %dma_wait3A_49 = tpu.memref_slice %arg2[%mul3A_2] : memref<647168xi32, #tpu.memory_space<hbm>> -> memref<128xi32, #tpu.memory_space<hbm>>
      %dma_wait3A_50 = tpu.memref_slice %arg2[%mul3A_2] : memref<647168xi32, #tpu.memory_space<hbm>> -> memref<128xi32, #tpu.memory_space<hbm>>
      tpu.wait_dma2 semaphore(%run_scoped3A : memref<!tpu.dma_semaphore, #tpu.memory_space<semaphore_mem>>) src(%dma_wait3A_50 : memref<128xi32, #tpu.memory_space<hbm>>) dst(%arg7 : memref<128xi32, #tpu.memory_space<vmem>>)
      tpu.yield
    }) : () -> ()
    "tpu.region"() ({
      %run_scoped3A = tpu.sem_alloc : memref<!tpu.dma_semaphore, #tpu.memory_space<semaphore_mem>>
      %dma_start3A_47 = tpu.memref_slice %arg3[%mul3A_2] : memref<647168xi32, #tpu.memory_space<hbm>> -> memref<128xi32, #tpu.memory_space<hbm>>
      %dma_start3A_48 = tpu.memref_slice %arg3[%mul3A_2] : memref<647168xi32, #tpu.memory_space<hbm>> -> memref<128xi32, #tpu.memory_space<hbm>>
      tpu.enqueue_dma source(%dma_start3A_48 : memref<128xi32, #tpu.memory_space<hbm>>) target(%arg9 : memref<128xi32, #tpu.memory_space<vmem>>) target_semaphore(%run_scoped3A : memref<!tpu.dma_semaphore, #tpu.memory_space<semaphore_mem>>)
      %dma_wait3A_49 = tpu.memref_slice %arg3[%mul3A_2] : memref<647168xi32, #tpu.memory_space<hbm>> -> memref<128xi32, #tpu.memory_space<hbm>>
      %dma_wait3A_50 = tpu.memref_slice %arg3[%mul3A_2] : memref<647168xi32, #tpu.memory_space<hbm>> -> memref<128xi32, #tpu.memory_space<hbm>>
      tpu.wait_dma2 semaphore(%run_scoped3A : memref<!tpu.dma_semaphore, #tpu.memory_space<semaphore_mem>>) src(%dma_wait3A_50 : memref<128xi32, #tpu.memory_space<hbm>>) dst(%arg9 : memref<128xi32, #tpu.memory_space<vmem>>)
      tpu.yield
    }) : () -> ()
    %dma_start3A = arith.constant 0 : i32
    %dma_start3A_23 = arith.constant 0 : i32
    %dma_start3A_24 = tpu.memref_slice %arg4[%dma_start3A, %dma_start3A_23] : memref<10000x128xf32, #tpu.memory_space<hbm>> -> memref<10000x128xf32, #tpu.memory_space<hbm>>
    tpu.enqueue_indirect_dma source(%dma_start3A_24 : memref<10000x128xf32, #tpu.memory_space<hbm>>) target(%arg11 : memref<128x128xf32, #tpu.memory_space<vmem>>) offsets(%arg7 : memref<128xi32, #tpu.memory_space<vmem>>) semaphore(%arg14 : memref<!tpu.dma_semaphore, #tpu.memory_space<semaphore_mem>>)
    %barrier3A = arith.constant 0 : index
    tpu.barrier barrier_id(%barrier3A)
    %scan3A = arith.constant 0 : i32
    %scan3A_25 = arith.constant 0 : i32
    %scan3A_26 = arith.constant 78 : i32
    %scan3A_27 = arith.addi %scan3A_25, %scan3A_26 : i32
    %scan3A_28 = arith.constant 1 : i32
    scf.for %scan3A_47 = %scan3A_25 to %scan3A_27 step %scan3A_28  : i32 {
      %mul3A_48 = arith.constant 2 : i32
      %mul3A_49 = arith.muli %mul3A_48, %scan3A_47 : i32
      %add3A_50 = arith.constant 1 : i32
      %add3A_51 = arith.addi %mul3A_49, %add3A_50 : i32
      %mul3A_52 = arith.constant 128 : i32
      %mul3A_53 = arith.muli %add3A_51, %mul3A_52 : i32
      %add3A_54 = arith.addi %mul3A_2, %mul3A_53 : i32
      "tpu.region"() ({
        %run_scoped3A = tpu.sem_alloc : memref<!tpu.dma_semaphore, #tpu.memory_space<semaphore_mem>>
        %dma_start3A_82 = tpu.memref_slice %arg2[%add3A_54] : memref<647168xi32, #tpu.memory_space<hbm>> -> memref<128xi32, #tpu.memory_space<hbm>>
        %dma_start3A_83 = tpu.memref_slice %arg2[%add3A_54] : memref<647168xi32, #tpu.memory_space<hbm>> -> memref<128xi32, #tpu.memory_space<hbm>>
        tpu.enqueue_dma source(%dma_start3A_83 : memref<128xi32, #tpu.memory_space<hbm>>) target(%arg8 : memref<128xi32, #tpu.memory_space<vmem>>) target_semaphore(%run_scoped3A : memref<!tpu.dma_semaphore, #tpu.memory_space<semaphore_mem>>)
        %dma_wait3A_84 = tpu.memref_slice %arg2[%add3A_54] : memref<647168xi32, #tpu.memory_space<hbm>> -> memref<128xi32, #tpu.memory_space<hbm>>
        %dma_wait3A_85 = tpu.memref_slice %arg2[%add3A_54] : memref<647168xi32, #tpu.memory_space<hbm>> -> memref<128xi32, #tpu.memory_space<hbm>>
        tpu.wait_dma2 semaphore(%run_scoped3A : memref<!tpu.dma_semaphore, #tpu.memory_space<semaphore_mem>>) src(%dma_wait3A_85 : memref<128xi32, #tpu.memory_space<hbm>>) dst(%arg8 : memref<128xi32, #tpu.memory_space<vmem>>)
        tpu.yield
      }) : () -> ()
      %add3A_55 = arith.constant 1 : i32
      %add3A_56 = arith.addi %mul3A_49, %add3A_55 : i32
      %mul3A_57 = arith.constant 128 : i32
      %mul3A_58 = arith.muli %add3A_56, %mul3A_57 : i32
      %add3A_59 = arith.addi %mul3A_2, %mul3A_58 : i32
      "tpu.region"() ({
        %run_scoped3A = tpu.sem_alloc : memref<!tpu.dma_semaphore, #tpu.memory_space<semaphore_mem>>
        %dma_start3A_82 = tpu.memref_slice %arg3[%add3A_59] : memref<647168xi32, #tpu.memory_space<hbm>> -> memref<128xi32, #tpu.memory_space<hbm>>
        %dma_start3A_83 = tpu.memref_slice %arg3[%add3A_59] : memref<647168xi32, #tpu.memory_space<hbm>> -> memref<128xi32, #tpu.memory_space<hbm>>
        tpu.enqueue_dma source(%dma_start3A_83 : memref<128xi32, #tpu.memory_space<hbm>>) target(%arg10 : memref<128xi32, #tpu.memory_space<vmem>>) target_semaphore(%run_scoped3A : memref<!tpu.dma_semaphore, #tpu.memory_space<semaphore_mem>>)
        %dma_wait3A_84 = tpu.memref_slice %arg3[%add3A_59] : memref<647168xi32, #tpu.memory_space<hbm>> -> memref<128xi32, #tpu.memory_space<hbm>>
        %dma_wait3A_85 = tpu.memref_slice %arg3[%add3A_59] : memref<647168xi32, #tpu.memory_space<hbm>> -> memref<128xi32, #tpu.memory_space<hbm>>
        tpu.wait_dma2 semaphore(%run_scoped3A : memref<!tpu.dma_semaphore, #tpu.memory_space<semaphore_mem>>) src(%dma_wait3A_85 : memref<128xi32, #tpu.memory_space<hbm>>) dst(%arg10 : memref<128xi32, #tpu.memory_space<vmem>>)
        tpu.yield
      }) : () -> ()
      %dma_start3A_60 = arith.constant 0 : i32
      %dma_start3A_61 = arith.constant 0 : i32
      %dma_start3A_62 = tpu.memref_slice %arg4[%dma_start3A_60, %dma_start3A_61] : memref<10000x128xf32, #tpu.memory_space<hbm>> -> memref<10000x128xf32, #tpu.memory_space<hbm>>
      tpu.enqueue_indirect_dma source(%dma_start3A_62 : memref<10000x128xf32, #tpu.memory_space<hbm>>) target(%arg12 : memref<128x128xf32, #tpu.memory_space<vmem>>) offsets(%arg8 : memref<128xi32, #tpu.memory_space<vmem>>) semaphore(%arg15 : memref<!tpu.dma_semaphore, #tpu.memory_space<semaphore_mem>>)
      %dma_wait3A_63 = arith.constant 0 : i32
      %dma_wait3A_64 = arith.constant 0 : i32
      %dma_wait3A_65 = tpu.memref_slice %arg4[%dma_wait3A_63, %dma_wait3A_64] : memref<10000x128xf32, #tpu.memory_space<hbm>> -> memref<10000x128xf32, #tpu.memory_space<hbm>>
      tpu.wait_indirect_dma semaphore(%arg14 : memref<!tpu.dma_semaphore, #tpu.memory_space<semaphore_mem>>) src(%dma_wait3A_65 : memref<10000x128xf32, #tpu.memory_space<hbm>>) dst(%arg11 : memref<128x128xf32, #tpu.memory_space<vmem>>)
      "tpu.region"() ({
        %run_scoped3A = tpu.sem_alloc : memref<!tpu.dma_semaphore, #tpu.memory_space<semaphore_mem>>
        %dma_start3A_82 = arith.constant 0 : i32
        %dma_start3A_83 = arith.constant 0 : i32
        %dma_start3A_84 = tpu.memref_slice %arg13[%dma_start3A_82, %dma_start3A_83] : memref<10240x128xf32, #tpu.memory_space<vmem_shared>> -> memref<10240x128xf32, #tpu.memory_space<vmem_shared>>
        tpu.enqueue_indirect_dma source(%arg11 : memref<128x128xf32, #tpu.memory_space<vmem>>) target(%dma_start3A_84 : memref<10240x128xf32, #tpu.memory_space<vmem_shared>>) offsets(%arg9 : memref<128xi32, #tpu.memory_space<vmem>>) semaphore(%run_scoped3A : memref<!tpu.dma_semaphore, #tpu.memory_space<semaphore_mem>>) {add = true}
        %dma_wait3A_85 = arith.constant 0 : i32
        %dma_wait3A_86 = arith.constant 0 : i32
        %dma_wait3A_87 = tpu.memref_slice %arg13[%dma_wait3A_85, %dma_wait3A_86] : memref<10240x128xf32, #tpu.memory_space<vmem_shared>> -> memref<10240x128xf32, #tpu.memory_space<vmem_shared>>
        tpu.wait_indirect_dma semaphore(%run_scoped3A : memref<!tpu.dma_semaphore, #tpu.memory_space<semaphore_mem>>) src(%arg11 : memref<128x128xf32, #tpu.memory_space<vmem>>) dst(%dma_wait3A_87 : memref<10240x128xf32, #tpu.memory_space<vmem_shared>>)
        tpu.yield
      }) : () -> ()
      %add3A_66 = arith.constant 2 : i32
      %add3A_67 = arith.addi %mul3A_49, %add3A_66 : i32
      %mul3A_68 = arith.constant 128 : i32
      %mul3A_69 = arith.muli %add3A_67, %mul3A_68 : i32
      %add3A_70 = arith.addi %mul3A_2, %mul3A_69 : i32
      "tpu.region"() ({
        %run_scoped3A = tpu.sem_alloc : memref<!tpu.dma_semaphore, #tpu.memory_space<semaphore_mem>>
        %dma_start3A_82 = tpu.memref_slice %arg2[%add3A_70] : memref<647168xi32, #tpu.memory_space<hbm>> -> memref<128xi32, #tpu.memory_space<hbm>>
        %dma_start3A_83 = tpu.memref_slice %arg2[%add3A_70] : memref<647168xi32, #tpu.memory_space<hbm>> -> memref<128xi32, #tpu.memory_space<hbm>>
        tpu.enqueue_dma source(%dma_start3A_83 : memref<128xi32, #tpu.memory_space<hbm>>) target(%arg7 : memref<128xi32, #tpu.memory_space<vmem>>) target_semaphore(%run_scoped3A : memref<!tpu.dma_semaphore, #tpu.memory_space<semaphore_mem>>)
        %dma_wait3A_84 = tpu.memref_slice %arg2[%add3A_70] : memref<647168xi32, #tpu.memory_space<hbm>> -> memref<128xi32, #tpu.memory_space<hbm>>
        %dma_wait3A_85 = tpu.memref_slice %arg2[%add3A_70] : memref<647168xi32, #tpu.memory_space<hbm>> -> memref<128xi32, #tpu.memory_space<hbm>>
        tpu.wait_dma2 semaphore(%run_scoped3A : memref<!tpu.dma_semaphore, #tpu.memory_space<semaphore_mem>>) src(%dma_wait3A_85 : memref<128xi32, #tpu.memory_space<hbm>>) dst(%arg7 : memref<128xi32, #tpu.memory_space<vmem>>)
        tpu.yield
      }) : () -> ()
      %add3A_71 = arith.constant 2 : i32
      %add3A_72 = arith.addi %mul3A_49, %add3A_71 : i32
      %mul3A_73 = arith.constant 128 : i32
      %mul3A_74 = arith.muli %add3A_72, %mul3A_73 : i32
      %add3A_75 = arith.addi %mul3A_2, %mul3A_74 : i32
      "tpu.region"() ({
        %run_scoped3A = tpu.sem_alloc : memref<!tpu.dma_semaphore, #tpu.memory_space<semaphore_mem>>
        %dma_start3A_82 = tpu.memref_slice %arg3[%add3A_75] : memref<647168xi32, #tpu.memory_space<hbm>> -> memref<128xi32, #tpu.memory_space<hbm>>
        %dma_start3A_83 = tpu.memref_slice %arg3[%add3A_75] : memref<647168xi32, #tpu.memory_space<hbm>> -> memref<128xi32, #tpu.memory_space<hbm>>
        tpu.enqueue_dma source(%dma_start3A_83 : memref<128xi32, #tpu.memory_space<hbm>>) target(%arg9 : memref<128xi32, #tpu.memory_space<vmem>>) target_semaphore(%run_scoped3A : memref<!tpu.dma_semaphore, #tpu.memory_space<semaphore_mem>>)
        %dma_wait3A_84 = tpu.memref_slice %arg3[%add3A_75] : memref<647168xi32, #tpu.memory_space<hbm>> -> memref<128xi32, #tpu.memory_space<hbm>>
        %dma_wait3A_85 = tpu.memref_slice %arg3[%add3A_75] : memref<647168xi32, #tpu.memory_space<hbm>> -> memref<128xi32, #tpu.memory_space<hbm>>
        tpu.wait_dma2 semaphore(%run_scoped3A : memref<!tpu.dma_semaphore, #tpu.memory_space<semaphore_mem>>) src(%dma_wait3A_85 : memref<128xi32, #tpu.memory_space<hbm>>) dst(%arg9 : memref<128xi32, #tpu.memory_space<vmem>>)
        tpu.yield
      }) : () -> ()
      %dma_start3A_76 = arith.constant 0 : i32
      %dma_start3A_77 = arith.constant 0 : i32
      %dma_start3A_78 = tpu.memref_slice %arg4[%dma_start3A_76, %dma_start3A_77] : memref<10000x128xf32, #tpu.memory_space<hbm>> -> memref<10000x128xf32, #tpu.memory_space<hbm>>
      tpu.enqueue_indirect_dma source(%dma_start3A_78 : memref<10000x128xf32, #tpu.memory_space<hbm>>) target(%arg11 : memref<128x128xf32, #tpu.memory_space<vmem>>) offsets(%arg7 : memref<128xi32, #tpu.memory_space<vmem>>) semaphore(%arg14 : memref<!tpu.dma_semaphore, #tpu.memory_space<semaphore_mem>>)
      %dma_wait3A_79 = arith.constant 0 : i32
      %dma_wait3A_80 = arith.constant 0 : i32
      %dma_wait3A_81 = tpu.memref_slice %arg4[%dma_wait3A_79, %dma_wait3A_80] : memref<10000x128xf32, #tpu.memory_space<hbm>> -> memref<10000x128xf32, #tpu.memory_space<hbm>>
      tpu.wait_indirect_dma semaphore(%arg15 : memref<!tpu.dma_semaphore, #tpu.memory_space<semaphore_mem>>) src(%dma_wait3A_81 : memref<10000x128xf32, #tpu.memory_space<hbm>>) dst(%arg12 : memref<128x128xf32, #tpu.memory_space<vmem>>)
      "tpu.region"() ({
        %run_scoped3A = tpu.sem_alloc : memref<!tpu.dma_semaphore, #tpu.memory_space<semaphore_mem>>
        %dma_start3A_82 = arith.constant 0 : i32
        %dma_start3A_83 = arith.constant 0 : i32
        %dma_start3A_84 = tpu.memref_slice %arg13[%dma_start3A_82, %dma_start3A_83] : memref<10240x128xf32, #tpu.memory_space<vmem_shared>> -> memref<10240x128xf32, #tpu.memory_space<vmem_shared>>
        tpu.enqueue_indirect_dma source(%arg12 : memref<128x128xf32, #tpu.memory_space<vmem>>) target(%dma_start3A_84 : memref<10240x128xf32, #tpu.memory_space<vmem_shared>>) offsets(%arg10 : memref<128xi32, #tpu.memory_space<vmem>>) semaphore(%run_scoped3A : memref<!tpu.dma_semaphore, #tpu.memory_space<semaphore_mem>>) {add = true}
        %dma_wait3A_85 = arith.constant 0 : i32
        %dma_wait3A_86 = arith.constant 0 : i32
        %dma_wait3A_87 = tpu.memref_slice %arg13[%dma_wait3A_85, %dma_wait3A_86] : memref<10240x128xf32, #tpu.memory_space<vmem_shared>> -> memref<10240x128xf32, #tpu.memory_space<vmem_shared>>
        tpu.wait_indirect_dma semaphore(%run_scoped3A : memref<!tpu.dma_semaphore, #tpu.memory_space<semaphore_mem>>) src(%arg12 : memref<128x128xf32, #tpu.memory_space<vmem>>) dst(%dma_wait3A_87 : memref<10240x128xf32, #tpu.memory_space<vmem_shared>>)
        tpu.yield
      }) : () -> ()
    }
    %scan3A_29 = arith.constant 78 : i32
    %add3A_30 = arith.constant 20096 : i32
    %add3A_31 = arith.addi %mul3A_2, %add3A_30 : i32
    "tpu.region"() ({
      %run_scoped3A = tpu.sem_alloc : memref<!tpu.dma_semaphore, #tpu.memory_space<semaphore_mem>>
      %dma_start3A_47 = tpu.memref_slice %arg2[%add3A_31] : memref<647168xi32, #tpu.memory_space<hbm>> -> memref<128xi32, #tpu.memory_space<hbm>>
      %dma_start3A_48 = tpu.memref_slice %arg2[%add3A_31] : memref<647168xi32, #tpu.memory_space<hbm>> -> memref<128xi32, #tpu.memory_space<hbm>>
      tpu.enqueue_dma source(%dma_start3A_48 : memref<128xi32, #tpu.memory_space<hbm>>) target(%arg8 : memref<128xi32, #tpu.memory_space<vmem>>) target_semaphore(%run_scoped3A : memref<!tpu.dma_semaphore, #tpu.memory_space<semaphore_mem>>)
      %dma_wait3A_49 = tpu.memref_slice %arg2[%add3A_31] : memref<647168xi32, #tpu.memory_space<hbm>> -> memref<128xi32, #tpu.memory_space<hbm>>
      %dma_wait3A_50 = tpu.memref_slice %arg2[%add3A_31] : memref<647168xi32, #tpu.memory_space<hbm>> -> memref<128xi32, #tpu.memory_space<hbm>>
      tpu.wait_dma2 semaphore(%run_scoped3A : memref<!tpu.dma_semaphore, #tpu.memory_space<semaphore_mem>>) src(%dma_wait3A_50 : memref<128xi32, #tpu.memory_space<hbm>>) dst(%arg8 : memref<128xi32, #tpu.memory_space<vmem>>)
      tpu.yield
    }) : () -> ()
    %add3A_32 = arith.constant 20096 : i32
    %add3A_33 = arith.addi %mul3A_2, %add3A_32 : i32
    "tpu.region"() ({
      %run_scoped3A = tpu.sem_alloc : memref<!tpu.dma_semaphore, #tpu.memory_space<semaphore_mem>>
      %dma_start3A_47 = tpu.memref_slice %arg3[%add3A_33] : memref<647168xi32, #tpu.memory_space<hbm>> -> memref<128xi32, #tpu.memory_space<hbm>>
      %dma_start3A_48 = tpu.memref_slice %arg3[%add3A_33] : memref<647168xi32, #tpu.memory_space<hbm>> -> memref<128xi32, #tpu.memory_space<hbm>>
      tpu.enqueue_dma source(%dma_start3A_48 : memref<128xi32, #tpu.memory_space<hbm>>) target(%arg10 : memref<128xi32, #tpu.memory_space<vmem>>) target_semaphore(%run_scoped3A : memref<!tpu.dma_semaphore, #tpu.memory_space<semaphore_mem>>)
      %dma_wait3A_49 = tpu.memref_slice %arg3[%add3A_33] : memref<647168xi32, #tpu.memory_space<hbm>> -> memref<128xi32, #tpu.memory_space<hbm>>
      %dma_wait3A_50 = tpu.memref_slice %arg3[%add3A_33] : memref<647168xi32, #tpu.memory_space<hbm>> -> memref<128xi32, #tpu.memory_space<hbm>>
      tpu.wait_dma2 semaphore(%run_scoped3A : memref<!tpu.dma_semaphore, #tpu.memory_space<semaphore_mem>>) src(%dma_wait3A_50 : memref<128xi32, #tpu.memory_space<hbm>>) dst(%arg10 : memref<128xi32, #tpu.memory_space<vmem>>)
      tpu.yield
    }) : () -> ()
    %dma_start3A_34 = arith.constant 0 : i32
    %dma_start3A_35 = arith.constant 0 : i32
    %dma_start3A_36 = tpu.memref_slice %arg4[%dma_start3A_34, %dma_start3A_35] : memref<10000x128xf32, #tpu.memory_space<hbm>> -> memref<10000x128xf32, #tpu.memory_space<hbm>>
    tpu.enqueue_indirect_dma source(%dma_start3A_36 : memref<10000x128xf32, #tpu.memory_space<hbm>>) target(%arg12 : memref<128x128xf32, #tpu.memory_space<vmem>>) offsets(%arg8 : memref<128xi32, #tpu.memory_space<vmem>>) semaphore(%arg15 : memref<!tpu.dma_semaphore, #tpu.memory_space<semaphore_mem>>)
    %dma_wait3A = arith.constant 0 : i32
    %dma_wait3A_37 = arith.constant 0 : i32
    %dma_wait3A_38 = tpu.memref_slice %arg4[%dma_wait3A, %dma_wait3A_37] : memref<10000x128xf32, #tpu.memory_space<hbm>> -> memref<10000x128xf32, #tpu.memory_space<hbm>>
    tpu.wait_indirect_dma semaphore(%arg14 : memref<!tpu.dma_semaphore, #tpu.memory_space<semaphore_mem>>) src(%dma_wait3A_38 : memref<10000x128xf32, #tpu.memory_space<hbm>>) dst(%arg11 : memref<128x128xf32, #tpu.memory_space<vmem>>)
    "tpu.region"() ({
      %run_scoped3A = tpu.sem_alloc : memref<!tpu.dma_semaphore, #tpu.memory_space<semaphore_mem>>
      %dma_start3A_47 = arith.constant 0 : i32
      %dma_start3A_48 = arith.constant 0 : i32
      %dma_start3A_49 = tpu.memref_slice %arg13[%dma_start3A_47, %dma_start3A_48] : memref<10240x128xf32, #tpu.memory_space<vmem_shared>> -> memref<10240x128xf32, #tpu.memory_space<vmem_shared>>
      tpu.enqueue_indirect_dma source(%arg11 : memref<128x128xf32, #tpu.memory_space<vmem>>) target(%dma_start3A_49 : memref<10240x128xf32, #tpu.memory_space<vmem_shared>>) offsets(%arg9 : memref<128xi32, #tpu.memory_space<vmem>>) semaphore(%run_scoped3A : memref<!tpu.dma_semaphore, #tpu.memory_space<semaphore_mem>>) {add = true}
      %dma_wait3A_50 = arith.constant 0 : i32
      %dma_wait3A_51 = arith.constant 0 : i32
      %dma_wait3A_52 = tpu.memref_slice %arg13[%dma_wait3A_50, %dma_wait3A_51] : memref<10240x128xf32, #tpu.memory_space<vmem_shared>> -> memref<10240x128xf32, #tpu.memory_space<vmem_shared>>
      tpu.wait_indirect_dma semaphore(%run_scoped3A : memref<!tpu.dma_semaphore, #tpu.memory_space<semaphore_mem>>) src(%arg11 : memref<128x128xf32, #tpu.memory_space<vmem>>) dst(%dma_wait3A_52 : memref<10240x128xf32, #tpu.memory_space<vmem_shared>>)
      tpu.yield
    }) : () -> ()
    %dma_wait3A_39 = arith.constant 0 : i32
    %dma_wait3A_40 = arith.constant 0 : i32
    %dma_wait3A_41 = tpu.memref_slice %arg4[%dma_wait3A_39, %dma_wait3A_40] : memref<10000x128xf32, #tpu.memory_space<hbm>> -> memref<10000x128xf32, #tpu.memory_space<hbm>>
    tpu.wait_indirect_dma semaphore(%arg15 : memref<!tpu.dma_semaphore, #tpu.memory_space<semaphore_mem>>) src(%dma_wait3A_41 : memref<10000x128xf32, #tpu.memory_space<hbm>>) dst(%arg12 : memref<128x128xf32, #tpu.memory_space<vmem>>)
    "tpu.region"() ({
      %run_scoped3A = tpu.sem_alloc : memref<!tpu.dma_semaphore, #tpu.memory_space<semaphore_mem>>
      %dma_start3A_47 = arith.constant 0 : i32
      %dma_start3A_48 = arith.constant 0 : i32
      %dma_start3A_49 = tpu.memref_slice %arg13[%dma_start3A_47, %dma_start3A_48] : memref<10240x128xf32, #tpu.memory_space<vmem_shared>> -> memref<10240x128xf32, #tpu.memory_space<vmem_shared>>
      tpu.enqueue_indirect_dma source(%arg12 : memref<128x128xf32, #tpu.memory_space<vmem>>) target(%dma_start3A_49 : memref<10240x128xf32, #tpu.memory_space<vmem_shared>>) offsets(%arg10 : memref<128xi32, #tpu.memory_space<vmem>>) semaphore(%run_scoped3A : memref<!tpu.dma_semaphore, #tpu.memory_space<semaphore_mem>>) {add = true}
      %dma_wait3A_50 = arith.constant 0 : i32
      %dma_wait3A_51 = arith.constant 0 : i32
      %dma_wait3A_52 = tpu.memref_slice %arg13[%dma_wait3A_50, %dma_wait3A_51] : memref<10240x128xf32, #tpu.memory_space<vmem_shared>> -> memref<10240x128xf32, #tpu.memory_space<vmem_shared>>
      tpu.wait_indirect_dma semaphore(%run_scoped3A : memref<!tpu.dma_semaphore, #tpu.memory_space<semaphore_mem>>) src(%arg12 : memref<128x128xf32, #tpu.memory_space<vmem>>) dst(%dma_wait3A_52 : memref<10240x128xf32, #tpu.memory_space<vmem_shared>>)
      tpu.yield
    }) : () -> ()
    %barrier3A_42 = arith.constant 0 : index
    tpu.barrier barrier_id(%barrier3A_42)
    %mul3A_43 = arith.constant 640 : i32
    %mul3A_44 = arith.muli %arg1, %mul3A_43 : i32
    %mul3A_45 = arith.constant 640 : i32
    %mul3A_46 = arith.muli %arg1, %mul3A_45 : i32
    "tpu.region"() ({
      %run_scoped3A = tpu.sem_alloc : memref<!tpu.dma_semaphore, #tpu.memory_space<semaphore_mem>>
      %dma_start3A_47 = arith.constant 0 : i32
      %dma_start3A_48 = tpu.memref_slice %arg6[%arg0, %mul3A_46, %dma_start3A_47] : memref<2x10240x128xf32, #tpu.memory_space<hbm>> -> memref<1x640x128xf32, #tpu.memory_space<hbm>>
      %dma_start3A_49 = tpu.memref_squeeze %dma_start3A_48 : memref<1x640x128xf32, #tpu.memory_space<hbm>> -> memref<640x128xf32, #tpu.memory_space<hbm>>
      %dma_start3A_50 = arith.constant 0 : i32
      %dma_start3A_51 = tpu.memref_slice %arg13[%mul3A_44, %dma_start3A_50] : memref<10240x128xf32, #tpu.memory_space<vmem_shared>> -> memref<640x128xf32, #tpu.memory_space<vmem_shared>>
      tpu.enqueue_dma source(%dma_start3A_51 : memref<640x128xf32, #tpu.memory_space<vmem_shared>>) target(%dma_start3A_49 : memref<640x128xf32, #tpu.memory_space<hbm>>) target_semaphore(%run_scoped3A : memref<!tpu.dma_semaphore, #tpu.memory_space<semaphore_mem>>)
      %dma_wait3A_52 = arith.constant 0 : i32
      %dma_wait3A_53 = tpu.memref_slice %arg6[%arg0, %mul3A_46, %dma_wait3A_52] : memref<2x10240x128xf32, #tpu.memory_space<hbm>> -> memref<1x640x128xf32, #tpu.memory_space<hbm>>
      %dma_wait3A_54 = tpu.memref_squeeze %dma_wait3A_53 : memref<1x640x128xf32, #tpu.memory_space<hbm>> -> memref<640x128xf32, #tpu.memory_space<hbm>>
      %dma_wait3A_55 = arith.constant 0 : i32
      %dma_wait3A_56 = tpu.memref_slice %arg13[%mul3A_44, %dma_wait3A_55] : memref<10240x128xf32, #tpu.memory_space<vmem_shared>> -> memref<640x128xf32, #tpu.memory_space<vmem_shared>>
      tpu.wait_dma2 semaphore(%run_scoped3A : memref<!tpu.dma_semaphore, #tpu.memory_space<semaphore_mem>>) src(%dma_wait3A_56 : memref<640x128xf32, #tpu.memory_space<vmem_shared>>) dst(%dma_wait3A_54 : memref<640x128xf32, #tpu.memory_space<hbm>>)
      tpu.yield
    }) : () -> ()
    return
  }
}

#map = affine_map<(d0, d1) -> (0)>
#map1 = affine_map<(d0, d1) -> (0, 0)>
#map2 = affine_map<(d0, d1) -> (0, 0, 0)>
module attributes {stable_mosaic.version = 14 : i64} {
  func.func @_deg_body(%arg0: i32, %arg1: i32, %arg2: memref<647168xi32, #tpu.memory_space<hbm>>, %arg3: memref<128x128xf32, #tpu.memory_space<hbm>>, %arg4: memref<128x128xf32, #tpu.memory_space<hbm>>, %arg5: memref<2x10240x128xf32, #tpu.memory_space<hbm>>, %arg6: memref<128xi32, #tpu.memory_space<vmem>>, %arg7: memref<128x128xf32, #tpu.memory_space<vmem>>, %arg8: memref<10240x128xf32, #tpu.memory_space<vmem_shared>>) attributes {dimension_semantics = [#tpu.dimension_semantics<core_parallel>, #tpu.dimension_semantics<subcore_parallel>], iteration_bounds = array<i64: 2, 16>, scalar_prefetch = 0 : i64, scratch_operands = 3 : i64, tpu.core_type = #tpu.core_type<sc_vector_subcore>, window_params = [{transform_indices = #map}, {transform_indices = #map1}, {transform_indices = #map1}, {transform_indices = #map2}]} {
    %mul3A = arith.constant 2 : i32
    %mul3A_0 = arith.muli %arg1, %mul3A : i32
    %add3A = arith.addi %mul3A_0, %arg0 : i32
    %mul3A_1 = arith.constant 20224 : i32
    %mul3A_2 = arith.muli %add3A, %mul3A_1 : i32
    %mul3A_3 = arith.constant 640 : i32
    %mul3A_4 = arith.muli %arg1, %mul3A_3 : i32
    %add3A_5 = arith.constant 0 : i32
    %add3A_6 = arith.addi %mul3A_4, %add3A_5 : i32
    "tpu.region"() ({
      %run_scoped3A = tpu.sem_alloc : memref<!tpu.dma_semaphore, #tpu.memory_space<semaphore_mem>>
      %dma_start3A = arith.constant 0 : i32
      %dma_start3A_33 = tpu.memref_slice %arg8[%add3A_6, %dma_start3A] : memref<10240x128xf32, #tpu.memory_space<vmem_shared>> -> memref<128x128xf32, #tpu.memory_space<vmem_shared>>
      tpu.enqueue_dma source(%arg4 : memref<128x128xf32, #tpu.memory_space<hbm>>) target(%dma_start3A_33 : memref<128x128xf32, #tpu.memory_space<vmem_shared>>) target_semaphore(%run_scoped3A : memref<!tpu.dma_semaphore, #tpu.memory_space<semaphore_mem>>)
      %dma_wait3A = arith.constant 0 : i32
      %dma_wait3A_34 = tpu.memref_slice %arg8[%add3A_6, %dma_wait3A] : memref<10240x128xf32, #tpu.memory_space<vmem_shared>> -> memref<128x128xf32, #tpu.memory_space<vmem_shared>>
      tpu.wait_dma2 semaphore(%run_scoped3A : memref<!tpu.dma_semaphore, #tpu.memory_space<semaphore_mem>>) src(%arg4 : memref<128x128xf32, #tpu.memory_space<hbm>>) dst(%dma_wait3A_34 : memref<128x128xf32, #tpu.memory_space<vmem_shared>>)
      tpu.yield
    }) : () -> ()
    %mul3A_7 = arith.constant 640 : i32
    %mul3A_8 = arith.muli %arg1, %mul3A_7 : i32
    %add3A_9 = arith.constant 128 : i32
    %add3A_10 = arith.addi %mul3A_8, %add3A_9 : i32
    "tpu.region"() ({
      %run_scoped3A = tpu.sem_alloc : memref<!tpu.dma_semaphore, #tpu.memory_space<semaphore_mem>>
      %dma_start3A = arith.constant 0 : i32
      %dma_start3A_33 = tpu.memref_slice %arg8[%add3A_10, %dma_start3A] : memref<10240x128xf32, #tpu.memory_space<vmem_shared>> -> memref<128x128xf32, #tpu.memory_space<vmem_shared>>
      tpu.enqueue_dma source(%arg4 : memref<128x128xf32, #tpu.memory_space<hbm>>) target(%dma_start3A_33 : memref<128x128xf32, #tpu.memory_space<vmem_shared>>) target_semaphore(%run_scoped3A : memref<!tpu.dma_semaphore, #tpu.memory_space<semaphore_mem>>)
      %dma_wait3A = arith.constant 0 : i32
      %dma_wait3A_34 = tpu.memref_slice %arg8[%add3A_10, %dma_wait3A] : memref<10240x128xf32, #tpu.memory_space<vmem_shared>> -> memref<128x128xf32, #tpu.memory_space<vmem_shared>>
      tpu.wait_dma2 semaphore(%run_scoped3A : memref<!tpu.dma_semaphore, #tpu.memory_space<semaphore_mem>>) src(%arg4 : memref<128x128xf32, #tpu.memory_space<hbm>>) dst(%dma_wait3A_34 : memref<128x128xf32, #tpu.memory_space<vmem_shared>>)
      tpu.yield
    }) : () -> ()
    %mul3A_11 = arith.constant 640 : i32
    %mul3A_12 = arith.muli %arg1, %mul3A_11 : i32
    %add3A_13 = arith.constant 256 : i32
    %add3A_14 = arith.addi %mul3A_12, %add3A_13 : i32
    "tpu.region"() ({
      %run_scoped3A = tpu.sem_alloc : memref<!tpu.dma_semaphore, #tpu.memory_space<semaphore_mem>>
      %dma_start3A = arith.constant 0 : i32
      %dma_start3A_33 = tpu.memref_slice %arg8[%add3A_14, %dma_start3A] : memref<10240x128xf32, #tpu.memory_space<vmem_shared>> -> memref<128x128xf32, #tpu.memory_space<vmem_shared>>
      tpu.enqueue_dma source(%arg4 : memref<128x128xf32, #tpu.memory_space<hbm>>) target(%dma_start3A_33 : memref<128x128xf32, #tpu.memory_space<vmem_shared>>) target_semaphore(%run_scoped3A : memref<!tpu.dma_semaphore, #tpu.memory_space<semaphore_mem>>)
      %dma_wait3A = arith.constant 0 : i32
      %dma_wait3A_34 = tpu.memref_slice %arg8[%add3A_14, %dma_wait3A] : memref<10240x128xf32, #tpu.memory_space<vmem_shared>> -> memref<128x128xf32, #tpu.memory_space<vmem_shared>>
      tpu.wait_dma2 semaphore(%run_scoped3A : memref<!tpu.dma_semaphore, #tpu.memory_space<semaphore_mem>>) src(%arg4 : memref<128x128xf32, #tpu.memory_space<hbm>>) dst(%dma_wait3A_34 : memref<128x128xf32, #tpu.memory_space<vmem_shared>>)
      tpu.yield
    }) : () -> ()
    %mul3A_15 = arith.constant 640 : i32
    %mul3A_16 = arith.muli %arg1, %mul3A_15 : i32
    %add3A_17 = arith.constant 384 : i32
    %add3A_18 = arith.addi %mul3A_16, %add3A_17 : i32
    "tpu.region"() ({
      %run_scoped3A = tpu.sem_alloc : memref<!tpu.dma_semaphore, #tpu.memory_space<semaphore_mem>>
      %dma_start3A = arith.constant 0 : i32
      %dma_start3A_33 = tpu.memref_slice %arg8[%add3A_18, %dma_start3A] : memref<10240x128xf32, #tpu.memory_space<vmem_shared>> -> memref<128x128xf32, #tpu.memory_space<vmem_shared>>
      tpu.enqueue_dma source(%arg4 : memref<128x128xf32, #tpu.memory_space<hbm>>) target(%dma_start3A_33 : memref<128x128xf32, #tpu.memory_space<vmem_shared>>) target_semaphore(%run_scoped3A : memref<!tpu.dma_semaphore, #tpu.memory_space<semaphore_mem>>)
      %dma_wait3A = arith.constant 0 : i32
      %dma_wait3A_34 = tpu.memref_slice %arg8[%add3A_18, %dma_wait3A] : memref<10240x128xf32, #tpu.memory_space<vmem_shared>> -> memref<128x128xf32, #tpu.memory_space<vmem_shared>>
      tpu.wait_dma2 semaphore(%run_scoped3A : memref<!tpu.dma_semaphore, #tpu.memory_space<semaphore_mem>>) src(%arg4 : memref<128x128xf32, #tpu.memory_space<hbm>>) dst(%dma_wait3A_34 : memref<128x128xf32, #tpu.memory_space<vmem_shared>>)
      tpu.yield
    }) : () -> ()
    %mul3A_19 = arith.constant 640 : i32
    %mul3A_20 = arith.muli %arg1, %mul3A_19 : i32
    %add3A_21 = arith.constant 512 : i32
    %add3A_22 = arith.addi %mul3A_20, %add3A_21 : i32
    "tpu.region"() ({
      %run_scoped3A = tpu.sem_alloc : memref<!tpu.dma_semaphore, #tpu.memory_space<semaphore_mem>>
      %dma_start3A = arith.constant 0 : i32
      %dma_start3A_33 = tpu.memref_slice %arg8[%add3A_22, %dma_start3A] : memref<10240x128xf32, #tpu.memory_space<vmem_shared>> -> memref<128x128xf32, #tpu.memory_space<vmem_shared>>
      tpu.enqueue_dma source(%arg4 : memref<128x128xf32, #tpu.memory_space<hbm>>) target(%dma_start3A_33 : memref<128x128xf32, #tpu.memory_space<vmem_shared>>) target_semaphore(%run_scoped3A : memref<!tpu.dma_semaphore, #tpu.memory_space<semaphore_mem>>)
      %dma_wait3A = arith.constant 0 : i32
      %dma_wait3A_34 = tpu.memref_slice %arg8[%add3A_22, %dma_wait3A] : memref<10240x128xf32, #tpu.memory_space<vmem_shared>> -> memref<128x128xf32, #tpu.memory_space<vmem_shared>>
      tpu.wait_dma2 semaphore(%run_scoped3A : memref<!tpu.dma_semaphore, #tpu.memory_space<semaphore_mem>>) src(%arg4 : memref<128x128xf32, #tpu.memory_space<hbm>>) dst(%dma_wait3A_34 : memref<128x128xf32, #tpu.memory_space<vmem_shared>>)
      tpu.yield
    }) : () -> ()
    "tpu.region"() ({
      %run_scoped3A = tpu.sem_alloc : memref<!tpu.dma_semaphore, #tpu.memory_space<semaphore_mem>>
      tpu.enqueue_dma source(%arg3 : memref<128x128xf32, #tpu.memory_space<hbm>>) target(%arg7 : memref<128x128xf32, #tpu.memory_space<vmem>>) target_semaphore(%run_scoped3A : memref<!tpu.dma_semaphore, #tpu.memory_space<semaphore_mem>>)
      tpu.wait_dma2 semaphore(%run_scoped3A : memref<!tpu.dma_semaphore, #tpu.memory_space<semaphore_mem>>) src(%arg3 : memref<128x128xf32, #tpu.memory_space<hbm>>) dst(%arg7 : memref<128x128xf32, #tpu.memory_space<vmem>>)
      tpu.yield
    }) : () -> ()
    %barrier3A = arith.constant 0 : index
    tpu.barrier barrier_id(%barrier3A)
    %scan3A = arith.constant 0 : i32
    %scan3A_23 = arith.constant 0 : i32
    %scan3A_24 = arith.constant 158 : i32
    %scan3A_25 = arith.addi %scan3A_23, %scan3A_24 : i32
    %scan3A_26 = arith.constant 1 : i32
    scf.for %scan3A_33 = %scan3A_23 to %scan3A_25 step %scan3A_26  : i32 {
      %mul3A_34 = arith.constant 128 : i32
      %mul3A_35 = arith.muli %scan3A_33, %mul3A_34 : i32
      %add3A_36 = arith.addi %mul3A_2, %mul3A_35 : i32
      "tpu.region"() ({
        %run_scoped3A = tpu.sem_alloc : memref<!tpu.dma_semaphore, #tpu.memory_space<semaphore_mem>>
        %dma_start3A = tpu.memref_slice %arg2[%add3A_36] : memref<647168xi32, #tpu.memory_space<hbm>> -> memref<128xi32, #tpu.memory_space<hbm>>
        %dma_start3A_37 = tpu.memref_slice %arg2[%add3A_36] : memref<647168xi32, #tpu.memory_space<hbm>> -> memref<128xi32, #tpu.memory_space<hbm>>
        tpu.enqueue_dma source(%dma_start3A_37 : memref<128xi32, #tpu.memory_space<hbm>>) target(%arg6 : memref<128xi32, #tpu.memory_space<vmem>>) target_semaphore(%run_scoped3A : memref<!tpu.dma_semaphore, #tpu.memory_space<semaphore_mem>>)
        %dma_wait3A = tpu.memref_slice %arg2[%add3A_36] : memref<647168xi32, #tpu.memory_space<hbm>> -> memref<128xi32, #tpu.memory_space<hbm>>
        %dma_wait3A_38 = tpu.memref_slice %arg2[%add3A_36] : memref<647168xi32, #tpu.memory_space<hbm>> -> memref<128xi32, #tpu.memory_space<hbm>>
        tpu.wait_dma2 semaphore(%run_scoped3A : memref<!tpu.dma_semaphore, #tpu.memory_space<semaphore_mem>>) src(%dma_wait3A_38 : memref<128xi32, #tpu.memory_space<hbm>>) dst(%arg6 : memref<128xi32, #tpu.memory_space<vmem>>)
        tpu.yield
      }) : () -> ()
      "tpu.region"() ({
        %run_scoped3A = tpu.sem_alloc : memref<!tpu.dma_semaphore, #tpu.memory_space<semaphore_mem>>
        %dma_start3A = arith.constant 0 : i32
        %dma_start3A_37 = arith.constant 0 : i32
        %dma_start3A_38 = tpu.memref_slice %arg8[%dma_start3A, %dma_start3A_37] : memref<10240x128xf32, #tpu.memory_space<vmem_shared>> -> memref<10240x128xf32, #tpu.memory_space<vmem_shared>>
        tpu.enqueue_indirect_dma source(%arg7 : memref<128x128xf32, #tpu.memory_space<vmem>>) target(%dma_start3A_38 : memref<10240x128xf32, #tpu.memory_space<vmem_shared>>) offsets(%arg6 : memref<128xi32, #tpu.memory_space<vmem>>) semaphore(%run_scoped3A : memref<!tpu.dma_semaphore, #tpu.memory_space<semaphore_mem>>) {add = true}
        %dma_wait3A = arith.constant 0 : i32
        %dma_wait3A_39 = arith.constant 0 : i32
        %dma_wait3A_40 = tpu.memref_slice %arg8[%dma_wait3A, %dma_wait3A_39] : memref<10240x128xf32, #tpu.memory_space<vmem_shared>> -> memref<10240x128xf32, #tpu.memory_space<vmem_shared>>
        tpu.wait_indirect_dma semaphore(%run_scoped3A : memref<!tpu.dma_semaphore, #tpu.memory_space<semaphore_mem>>) src(%arg7 : memref<128x128xf32, #tpu.memory_space<vmem>>) dst(%dma_wait3A_40 : memref<10240x128xf32, #tpu.memory_space<vmem_shared>>)
        tpu.yield
      }) : () -> ()
    }
    %scan3A_27 = arith.constant 158 : i32
    %barrier3A_28 = arith.constant 0 : index
    tpu.barrier barrier_id(%barrier3A_28)
    %mul3A_29 = arith.constant 640 : i32
    %mul3A_30 = arith.muli %arg1, %mul3A_29 : i32
    %mul3A_31 = arith.constant 640 : i32
    %mul3A_32 = arith.muli %arg1, %mul3A_31 : i32
    "tpu.region"() ({
      %run_scoped3A = tpu.sem_alloc : memref<!tpu.dma_semaphore, #tpu.memory_space<semaphore_mem>>
      %dma_start3A = arith.constant 0 : i32
      %dma_start3A_33 = tpu.memref_slice %arg5[%arg0, %mul3A_32, %dma_start3A] : memref<2x10240x128xf32, #tpu.memory_space<hbm>> -> memref<1x640x128xf32, #tpu.memory_space<hbm>>
      %dma_start3A_34 = tpu.memref_squeeze %dma_start3A_33 : memref<1x640x128xf32, #tpu.memory_space<hbm>> -> memref<640x128xf32, #tpu.memory_space<hbm>>
      %dma_start3A_35 = arith.constant 0 : i32
      %dma_start3A_36 = tpu.memref_slice %arg8[%mul3A_30, %dma_start3A_35] : memref<10240x128xf32, #tpu.memory_space<vmem_shared>> -> memref<640x128xf32, #tpu.memory_space<vmem_shared>>
      tpu.enqueue_dma source(%dma_start3A_36 : memref<640x128xf32, #tpu.memory_space<vmem_shared>>) target(%dma_start3A_34 : memref<640x128xf32, #tpu.memory_space<hbm>>) target_semaphore(%run_scoped3A : memref<!tpu.dma_semaphore, #tpu.memory_space<semaphore_mem>>)
      %dma_wait3A = arith.constant 0 : i32
      %dma_wait3A_37 = tpu.memref_slice %arg5[%arg0, %mul3A_32, %dma_wait3A] : memref<2x10240x128xf32, #tpu.memory_space<hbm>> -> memref<1x640x128xf32, #tpu.memory_space<hbm>>
      %dma_wait3A_38 = tpu.memref_squeeze %dma_wait3A_37 : memref<1x640x128xf32, #tpu.memory_space<hbm>> -> memref<640x128xf32, #tpu.memory_space<hbm>>
      %dma_wait3A_39 = arith.constant 0 : i32
      %dma_wait3A_40 = tpu.memref_slice %arg8[%mul3A_30, %dma_wait3A_39] : memref<10240x128xf32, #tpu.memory_space<vmem_shared>> -> memref<640x128xf32, #tpu.memory_space<vmem_shared>>
      tpu.wait_dma2 semaphore(%run_scoped3A : memref<!tpu.dma_semaphore, #tpu.memory_space<semaphore_mem>>) src(%dma_wait3A_40 : memref<640x128xf32, #tpu.memory_space<vmem_shared>>) dst(%dma_wait3A_38 : memref<640x128xf32, #tpu.memory_space<hbm>>)
      tpu.yield
    }) : () -> ()
    return
  }
}

module attributes {stable_mosaic.version = 14 : i64} {
  func.func @_enc_body(%arg0: i32, %arg1: memref<1000x1xf32, #tpu.memory_space<vmem>>, %arg2: memref<2x1000x128xf32, #tpu.memory_space<vmem>>, %arg3: memref<1x128xf32, #tpu.memory_space<vmem>>, %arg4: memref<1x128xf32, #tpu.memory_space<vmem>>, %arg5: memref<1x128xf32, #tpu.memory_space<vmem>>, %arg6: memref<1x128xf32, #tpu.memory_space<vmem>>, %arg7: memref<128x128xf32, #tpu.memory_space<vmem>>, %arg8: memref<1000x128xf32, #tpu.memory_space<vmem>>) attributes {dimension_semantics = [#tpu.dimension_semantics<arbitrary>], iteration_bounds = array<i64: 10>, scalar_prefetch = 0 : i64, scratch_operands = 0 : i64, tpu.core_type = #tpu.core_type<tc>, window_params = [{transform_indices = @transform_0, window_bounds = array<i64: 1000, 1>}, {transform_indices = @transform_1, window_bounds = array<i64: 2, 1000, 128>}, {pipeline_mode = #tpu.pipeline_mode<synchronous>, transform_indices = @transform_2, window_bounds = array<i64: 1, 128>}, {pipeline_mode = #tpu.pipeline_mode<synchronous>, transform_indices = @transform_3, window_bounds = array<i64: 1, 128>}, {pipeline_mode = #tpu.pipeline_mode<synchronous>, transform_indices = @transform_4, window_bounds = array<i64: 1, 128>}, {pipeline_mode = #tpu.pipeline_mode<synchronous>, transform_indices = @transform_5, window_bounds = array<i64: 1, 128>}, {pipeline_mode = #tpu.pipeline_mode<synchronous>, transform_indices = @transform_6, window_bounds = array<i64: 128, 128>}, {transform_indices = @transform_7, window_bounds = array<i64: 1000, 128>}]} {
    %iota3A = tpu.iota {dimensions = array<i32: 0>} : vector<1000x1xi32>
    %mul3A = arith.constant 1000 : i32
    %mul3A_0 = arith.muli %arg0, %mul3A : i32
    %add3A = vector.broadcast %mul3A_0 : i32 to vector<1000x1xi32>
    %add3A_1 = arith.addi %iota3A, %add3A : vector<1000x1xi32>
    %lt3A = arith.constant 562 : i32
    %lt3A_2 = vector.broadcast %lt3A : i32 to vector<1000x1xi32>
    %lt3A_3 = arith.cmpi slt, %add3A_1, %lt3A_2 : vector<1000x1xi32>
    %get3A = arith.constant 0 : index
    %get3A_4 = arith.constant 0 : index
    %get3A_5 = vector.load %arg3[%get3A, %get3A_4] : memref<1x128xf32, #tpu.memory_space<vmem>>, vector<1x128xf32>
    %get3A_6 = arith.constant 0 : index
    %get3A_7 = arith.constant 0 : index
    %get3A_8 = vector.load %arg5[%get3A_6, %get3A_7] : memref<1x128xf32, #tpu.memory_space<vmem>>, vector<1x128xf32>
    %broadcast_in_dim3A = vector.shape_cast %lt3A_3 : vector<1000x1xi1> to vector<1000x1xi1>
    %broadcast_in_dim3A_9 = vector.broadcast %broadcast_in_dim3A : vector<1000x1xi1> to vector<1000x128xi1>
    %broadcast_in_dim3A_10 = vector.shape_cast %get3A_5 : vector<1x128xf32> to vector<1x128xf32>
    %broadcast_in_dim3A_11 = vector.broadcast %broadcast_in_dim3A_10 : vector<1x128xf32> to vector<1000x128xf32>
    %broadcast_in_dim3A_12 = vector.shape_cast %get3A_8 : vector<1x128xf32> to vector<1x128xf32>
    %broadcast_in_dim3A_13 = vector.broadcast %broadcast_in_dim3A_12 : vector<1x128xf32> to vector<1000x128xf32>
    %select_n3A = arith.select %broadcast_in_dim3A_9, %broadcast_in_dim3A_11, %broadcast_in_dim3A_13 : vector<1000x128xi1>, vector<1000x128xf32>
    %get3A_14 = arith.constant 0 : index
    %get3A_15 = arith.constant 0 : index
    %get3A_16 = vector.load %arg4[%get3A_14, %get3A_15] : memref<1x128xf32, #tpu.memory_space<vmem>>, vector<1x128xf32>
    %get3A_17 = arith.constant 0 : index
    %get3A_18 = arith.constant 0 : index
    %get3A_19 = vector.load %arg6[%get3A_17, %get3A_18] : memref<1x128xf32, #tpu.memory_space<vmem>>, vector<1x128xf32>
    %broadcast_in_dim3A_20 = vector.shape_cast %lt3A_3 : vector<1000x1xi1> to vector<1000x1xi1>
    %broadcast_in_dim3A_21 = vector.broadcast %broadcast_in_dim3A_20 : vector<1000x1xi1> to vector<1000x128xi1>
    %broadcast_in_dim3A_22 = vector.shape_cast %get3A_16 : vector<1x128xf32> to vector<1x128xf32>
    %broadcast_in_dim3A_23 = vector.broadcast %broadcast_in_dim3A_22 : vector<1x128xf32> to vector<1000x128xf32>
    %broadcast_in_dim3A_24 = vector.shape_cast %get3A_19 : vector<1x128xf32> to vector<1x128xf32>
    %broadcast_in_dim3A_25 = vector.broadcast %broadcast_in_dim3A_24 : vector<1x128xf32> to vector<1000x128xf32>
    %select_n3A_26 = arith.select %broadcast_in_dim3A_21, %broadcast_in_dim3A_23, %broadcast_in_dim3A_25 : vector<1000x128xi1>, vector<1000x128xf32>
    %get3A_27 = arith.constant 0 : index
    %get3A_28 = arith.constant 0 : index
    %get3A_29 = vector.load %arg1[%get3A_27, %get3A_28] : memref<1000x1xf32, #tpu.memory_space<vmem>>, vector<1000x1xf32>
    %mul3A_30 = vector.broadcast %get3A_29 : vector<1000x1xf32> to vector<1000x128xf32>
    %mul3A_31 = arith.mulf %mul3A_30, %select_n3A : vector<1000x128xf32>
    %add3A_32 = arith.addf %mul3A_31, %select_n3A_26 : vector<1000x128xf32>
    %max3A = arith.constant 0.000000e+00 : f32
    %max3A_33 = vector.broadcast %max3A : f32 to vector<1000x128xf32>
    %max3A_34 = arith.maximumf %add3A_32, %max3A_33 : vector<1000x128xf32>
    %get3A_35 = arith.constant 0 : index
    %get3A_36 = arith.constant 0 : index
    %get3A_37 = vector.load %arg7[%get3A_35, %get3A_36] : memref<128x128xf32, #tpu.memory_space<vmem>>, vector<128x128xf32>
    %dot_general3A = arith.constant dense<0.000000e+00> : vector<1000x128xf32>
    %dot_general3A_38 = tpu.matmul %max3A_34, %get3A_37, %dot_general3A {dimension_numbers = #tpu.dot_dimension_numbers<[1], [0], [0], [1], [0, 0, 1, 1], [], []>, transpose_lhs_hint = false} : vector<1000x128xf32>, vector<128x128xf32>, vector<1000x128xf32> -> vector<1000x128xf32>
    %get3A_39 = arith.constant 0 : index
    %get3A_40 = arith.constant 0 : index
    %get3A_41 = arith.constant 0 : index
    %get3A_42 = vector.load %arg2[%get3A_39, %get3A_40, %get3A_41] : memref<2x1000x128xf32, #tpu.memory_space<vmem>>, vector<1x1000x1xf32>
    %get3A_43 = vector.shape_cast %get3A_42 : vector<1x1000x1xf32> to vector<1000x1xf32>
    %get3A_44 = arith.constant 1 : index
    %get3A_45 = arith.constant 0 : index
    %get3A_46 = arith.constant 0 : index
    %get3A_47 = vector.load %arg2[%get3A_44, %get3A_45, %get3A_46] : memref<2x1000x128xf32, #tpu.memory_space<vmem>>, vector<1x1000x1xf32>
    %get3A_48 = vector.shape_cast %get3A_47 : vector<1x1000x1xf32> to vector<1000x1xf32>
    %add3A_49 = arith.addf %get3A_43, %get3A_48 : vector<1000x1xf32>
    %add3A_50 = arith.constant 1.000000e+00 : f32
    %add3A_51 = vector.broadcast %add3A_50 : f32 to vector<1000x1xf32>
    %add3A_52 = arith.addf %add3A_49, %add3A_51 : vector<1000x1xf32>
    %rsqrt3A = math.rsqrt %add3A_52 : vector<1000x1xf32>
    %mul3A_53 = vector.broadcast %rsqrt3A : vector<1000x1xf32> to vector<1000x128xf32>
    %mul3A_54 = arith.mulf %dot_general3A_38, %mul3A_53 : vector<1000x128xf32>
    %swap3A = arith.constant 0 : index
    %swap3A_55 = arith.constant 0 : index
    %swap3A_56 = vector.load %arg8[%swap3A, %swap3A_55] : memref<1000x128xf32, #tpu.memory_space<vmem>>, vector<1000x128xf32>
    tpu.vector_store %arg8[%swap3A, %swap3A_55], %mul3A_54 {strides = array<i32>} : memref<1000x128xf32, #tpu.memory_space<vmem>>, vector<1000x128xf32>,
    return
  }
  func.func @transform_0(%arg0: i32) -> (i32, i32) {
    %c0_i32 = arith.constant 0 : i32
    %c0_i32_0 = arith.constant 0 : i32
    return %arg0, %c0_i32 : i32, i32
  }
  func.func @transform_1(%arg0: i32) -> (i32, i32, i32) {
    %c0_i32 = arith.constant 0 : i32
    %c0_i32_0 = arith.constant 0 : i32
    %c0_i32_1 = arith.constant 0 : i32
    return %c0_i32, %arg0, %c0_i32_0 : i32, i32, i32
  }
  func.func @transform_2(%arg0: i32) -> (i32, i32) {
    %c0_i32 = arith.constant 0 : i32
    %c0_i32_0 = arith.constant 0 : i32
    %c0_i32_1 = arith.constant 0 : i32
    return %c0_i32, %c0_i32_0 : i32, i32
  }
  func.func @transform_3(%arg0: i32) -> (i32, i32) {
    %c0_i32 = arith.constant 0 : i32
    %c0_i32_0 = arith.constant 0 : i32
    %c0_i32_1 = arith.constant 0 : i32
    return %c0_i32, %c0_i32_0 : i32, i32
  }
  func.func @transform_4(%arg0: i32) -> (i32, i32) {
    %c0_i32 = arith.constant 0 : i32
    %c0_i32_0 = arith.constant 0 : i32
    %c0_i32_1 = arith.constant 0 : i32
    return %c0_i32, %c0_i32_0 : i32, i32
  }
  func.func @transform_5(%arg0: i32) -> (i32, i32) {
    %c0_i32 = arith.constant 0 : i32
    %c0_i32_0 = arith.constant 0 : i32
    %c0_i32_1 = arith.constant 0 : i32
    return %c0_i32, %c0_i32_0 : i32, i32
  }
  func.func @transform_6(%arg0: i32) -> (i32, i32) {
    %c0_i32 = arith.constant 0 : i32
    %c0_i32_0 = arith.constant 0 : i32
    %c0_i32_1 = arith.constant 0 : i32
    return %c0_i32, %c0_i32_0 : i32, i32
  }
  func.func @transform_7(%arg0: i32) -> (i32, i32) {
    %c0_i32 = arith.constant 0 : i32
    %c0_i32_0 = arith.constant 0 : i32
    return %arg0, %c0_i32 : i32, i32
  }
}

module attributes {stable_mosaic.version = 14 : i64} {
  func.func @_mid_body(%arg0: i32, %arg1: memref<2x1000x128xf32, #tpu.memory_space<vmem>>, %arg2: memref<1000x128xf32, #tpu.memory_space<vmem>>, %arg3: memref<2x1000x128xf32, #tpu.memory_space<vmem>>, %arg4: memref<1x128xf32, #tpu.memory_space<vmem>>, %arg5: memref<128x128xf32, #tpu.memory_space<vmem>>, %arg6: memref<1000x128xf32, #tpu.memory_space<vmem>>) attributes {dimension_semantics = [#tpu.dimension_semantics<arbitrary>], iteration_bounds = array<i64: 10>, scalar_prefetch = 0 : i64, scratch_operands = 0 : i64, tpu.core_type = #tpu.core_type<tc>, window_params = [{transform_indices = @transform_0, window_bounds = array<i64: 2, 1000, 128>}, {transform_indices = @transform_1, window_bounds = array<i64: 1000, 128>}, {transform_indices = @transform_2, window_bounds = array<i64: 2, 1000, 128>}, {pipeline_mode = #tpu.pipeline_mode<synchronous>, transform_indices = @transform_3, window_bounds = array<i64: 1, 128>}, {pipeline_mode = #tpu.pipeline_mode<synchronous>, transform_indices = @transform_4, window_bounds = array<i64: 128, 128>}, {transform_indices = @transform_5, window_bounds = array<i64: 1000, 128>}]} {
    %get3A = arith.constant 0 : index
    %get3A_0 = arith.constant 0 : index
    %get3A_1 = arith.constant 0 : index
    %get3A_2 = vector.load %arg3[%get3A, %get3A_0, %get3A_1] : memref<2x1000x128xf32, #tpu.memory_space<vmem>>, vector<1x1000x1xf32>
    %get3A_3 = vector.shape_cast %get3A_2 : vector<1x1000x1xf32> to vector<1000x1xf32>
    %get3A_4 = arith.constant 1 : index
    %get3A_5 = arith.constant 0 : index
    %get3A_6 = arith.constant 0 : index
    %get3A_7 = vector.load %arg3[%get3A_4, %get3A_5, %get3A_6] : memref<2x1000x128xf32, #tpu.memory_space<vmem>>, vector<1x1000x1xf32>
    %get3A_8 = vector.shape_cast %get3A_7 : vector<1x1000x1xf32> to vector<1000x1xf32>
    %add3A = arith.addf %get3A_3, %get3A_8 : vector<1000x1xf32>
    %add3A_9 = arith.constant 1.000000e+00 : f32
    %add3A_10 = vector.broadcast %add3A_9 : f32 to vector<1000x1xf32>
    %add3A_11 = arith.addf %add3A, %add3A_10 : vector<1000x1xf32>
    %rsqrt3A = math.rsqrt %add3A_11 : vector<1000x1xf32>
    %get3A_12 = arith.constant 0 : index
    %get3A_13 = arith.constant 0 : index
    %get3A_14 = arith.constant 0 : index
    %get3A_15 = vector.load %arg1[%get3A_12, %get3A_13, %get3A_14] : memref<2x1000x128xf32, #tpu.memory_space<vmem>>, vector<1x1000x128xf32>
    %get3A_16 = vector.shape_cast %get3A_15 : vector<1x1000x128xf32> to vector<1000x128xf32>
    %get3A_17 = arith.constant 1 : index
    %get3A_18 = arith.constant 0 : index
    %get3A_19 = arith.constant 0 : index
    %get3A_20 = vector.load %arg1[%get3A_17, %get3A_18, %get3A_19] : memref<2x1000x128xf32, #tpu.memory_space<vmem>>, vector<1x1000x128xf32>
    %get3A_21 = vector.shape_cast %get3A_20 : vector<1x1000x128xf32> to vector<1000x128xf32>
    %add3A_22 = arith.addf %get3A_16, %get3A_21 : vector<1000x128xf32>
    %get3A_23 = arith.constant 0 : index
    %get3A_24 = arith.constant 0 : index
    %get3A_25 = vector.load %arg2[%get3A_23, %get3A_24] : memref<1000x128xf32, #tpu.memory_space<vmem>>, vector<1000x128xf32>
    %add3A_26 = arith.addf %add3A_22, %get3A_25 : vector<1000x128xf32>
    %mul3A = vector.broadcast %rsqrt3A : vector<1000x1xf32> to vector<1000x128xf32>
    %mul3A_27 = arith.mulf %add3A_26, %mul3A : vector<1000x128xf32>
    %get3A_28 = arith.constant 0 : index
    %get3A_29 = arith.constant 0 : index
    %get3A_30 = vector.load %arg4[%get3A_28, %get3A_29] : memref<1x128xf32, #tpu.memory_space<vmem>>, vector<1x128xf32>
    %add3A_31 = vector.broadcast %get3A_30 : vector<1x128xf32> to vector<1000x128xf32>
    %add3A_32 = arith.addf %mul3A_27, %add3A_31 : vector<1000x128xf32>
    %max3A = arith.constant 0.000000e+00 : f32
    %max3A_33 = vector.broadcast %max3A : f32 to vector<1000x128xf32>
    %max3A_34 = arith.maximumf %add3A_32, %max3A_33 : vector<1000x128xf32>
    %get3A_35 = arith.constant 0 : index
    %get3A_36 = arith.constant 0 : index
    %get3A_37 = vector.load %arg5[%get3A_35, %get3A_36] : memref<128x128xf32, #tpu.memory_space<vmem>>, vector<128x128xf32>
    %dot_general3A = arith.constant dense<0.000000e+00> : vector<1000x128xf32>
    %dot_general3A_38 = tpu.matmul %max3A_34, %get3A_37, %dot_general3A {dimension_numbers = #tpu.dot_dimension_numbers<[1], [0], [0], [1], [0, 0, 1, 1], [], []>, transpose_lhs_hint = false} : vector<1000x128xf32>, vector<128x128xf32>, vector<1000x128xf32> -> vector<1000x128xf32>
    %mul3A_39 = vector.broadcast %rsqrt3A : vector<1000x1xf32> to vector<1000x128xf32>
    %mul3A_40 = arith.mulf %dot_general3A_38, %mul3A_39 : vector<1000x128xf32>
    %swap3A = arith.constant 0 : index
    %swap3A_41 = arith.constant 0 : index
    %swap3A_42 = vector.load %arg6[%swap3A, %swap3A_41] : memref<1000x128xf32, #tpu.memory_space<vmem>>, vector<1000x128xf32>
    tpu.vector_store %arg6[%swap3A, %swap3A_41], %mul3A_40 {strides = array<i32>} : memref<1000x128xf32, #tpu.memory_space<vmem>>, vector<1000x128xf32>,
    return
  }
  func.func @transform_0(%arg0: i32) -> (i32, i32, i32) {
    %c0_i32 = arith.constant 0 : i32
    %c0_i32_0 = arith.constant 0 : i32
    %c0_i32_1 = arith.constant 0 : i32
    return %c0_i32, %arg0, %c0_i32_0 : i32, i32, i32
  }
  func.func @transform_1(%arg0: i32) -> (i32, i32) {
    %c0_i32 = arith.constant 0 : i32
    %c0_i32_0 = arith.constant 0 : i32
    return %arg0, %c0_i32 : i32, i32
  }
  func.func @transform_2(%arg0: i32) -> (i32, i32, i32) {
    %c0_i32 = arith.constant 0 : i32
    %c0_i32_0 = arith.constant 0 : i32
    %c0_i32_1 = arith.constant 0 : i32
    return %c0_i32, %arg0, %c0_i32_0 : i32, i32, i32
  }
  func.func @transform_3(%arg0: i32) -> (i32, i32) {
    %c0_i32 = arith.constant 0 : i32
    %c0_i32_0 = arith.constant 0 : i32
    %c0_i32_1 = arith.constant 0 : i32
    return %c0_i32, %c0_i32_0 : i32, i32
  }
  func.func @transform_4(%arg0: i32) -> (i32, i32) {
    %c0_i32 = arith.constant 0 : i32
    %c0_i32_0 = arith.constant 0 : i32
    %c0_i32_1 = arith.constant 0 : i32
    return %c0_i32, %c0_i32_0 : i32, i32
  }
  func.func @transform_5(%arg0: i32) -> (i32, i32) {
    %c0_i32 = arith.constant 0 : i32
    %c0_i32_0 = arith.constant 0 : i32
    return %arg0, %c0_i32 : i32, i32
  }
}

module attributes {stable_mosaic.version = 14 : i64} {
  func.func @_final_body(%arg0: i32, %arg1: memref<2x1000x128xf32, #tpu.memory_space<vmem>>, %arg2: memref<1000x128xf32, #tpu.memory_space<vmem>>, %arg3: memref<2x1000x128xf32, #tpu.memory_space<vmem>>, %arg4: memref<1x128xf32, #tpu.memory_space<vmem>>, %arg5: memref<1000x1xi32, #tpu.memory_space<vmem>>, %arg6: memref<128x128xf32, #tpu.memory_space<vmem>>, %arg7: memref<1x128xf32, #tpu.memory_space<vmem>>, %arg8: memref<128x64xf32, #tpu.memory_space<vmem>>, %arg9: memref<1x64xf32, #tpu.memory_space<vmem>>, %arg10: memref<64x4xf32, #tpu.memory_space<vmem>>, %arg11: memref<1x4xf32, #tpu.memory_space<vmem>>, %arg12: memref<16x4xf32, #tpu.memory_space<vmem>>, %arg13: memref<16x128xf32, #tpu.memory_space<vmem>>, %arg14: memref<16x128xf32, #tpu.memory_space<vmem>>) attributes {dimension_semantics = [#tpu.dimension_semantics<arbitrary>], iteration_bounds = array<i64: 10>, scalar_prefetch = 0 : i64, scratch_operands = 2 : i64, tpu.core_type = #tpu.core_type<tc>, window_params = [{transform_indices = @transform_0, window_bounds = array<i64: 2, 1000, 128>}, {transform_indices = @transform_1, window_bounds = array<i64: 1000, 128>}, {transform_indices = @transform_2, window_bounds = array<i64: 2, 1000, 128>}, {pipeline_mode = #tpu.pipeline_mode<synchronous>, transform_indices = @transform_3, window_bounds = array<i64: 1, 128>}, {transform_indices = @transform_4, window_bounds = array<i64: 1000, 1>}, {pipeline_mode = #tpu.pipeline_mode<synchronous>, transform_indices = @transform_5, window_bounds = array<i64: 128, 128>}, {pipeline_mode = #tpu.pipeline_mode<synchronous>, transform_indices = @transform_6, window_bounds = array<i64: 1, 128>}, {pipeline_mode = #tpu.pipeline_mode<synchronous>, transform_indices = @transform_7, window_bounds = array<i64: 128, 64>}, {pipeline_mode = #tpu.pipeline_mode<synchronous>, transform_indices = @transform_8, window_bounds = array<i64: 1, 64>}, {pipeline_mode = #tpu.pipeline_mode<synchronous>, transform_indices = @transform_9, window_bounds = array<i64: 64, 4>}, {pipeline_mode = #tpu.pipeline_mode<synchronous>, transform_indices = @transform_10, window_bounds = array<i64: 1, 4>}, {pipeline_mode = #tpu.pipeline_mode<synchronous>, transform_indices = @transform_11, window_bounds = array<i64: 16, 4>}]} {
    %eq3A = arith.constant 0 : i32
    %eq3A_0 = arith.cmpi eq, %arg0, %eq3A : i32
    %convert_element_type3A = arith.extui %eq3A_0 : i1 to i32
    %cond3A = arith.constant 0 : i32
    %cond3A_1 = arith.cmpi ne, %convert_element_type3A, %cond3A : i32
    scf.if %cond3A_1 {
      %broadcast_in_dim3A_64 = arith.constant 0.000000e+00 : f32
      %broadcast_in_dim3A_65 = vector.broadcast %broadcast_in_dim3A_64 : f32 to vector<16x128xf32>
      %swap3A_66 = arith.constant 0 : index
      %swap3A_67 = arith.constant 0 : index
      %swap3A_68 = vector.load %arg13[%swap3A_66, %swap3A_67] : memref<16x128xf32, #tpu.memory_space<vmem>>, vector<16x128xf32>
      tpu.vector_store %arg13[%swap3A_66, %swap3A_67], %broadcast_in_dim3A_65 {strides = array<i32>} : memref<16x128xf32, #tpu.memory_space<vmem>>, vector<16x128xf32>,
      %broadcast_in_dim3A_69 = arith.constant 0.000000e+00 : f32
      %broadcast_in_dim3A_70 = vector.broadcast %broadcast_in_dim3A_69 : f32 to vector<16x128xf32>
      %swap3A_71 = arith.constant 0 : index
      %swap3A_72 = arith.constant 0 : index
      %swap3A_73 = vector.load %arg14[%swap3A_71, %swap3A_72] : memref<16x128xf32, #tpu.memory_space<vmem>>, vector<16x128xf32>
      tpu.vector_store %arg14[%swap3A_71, %swap3A_72], %broadcast_in_dim3A_70 {strides = array<i32>} : memref<16x128xf32, #tpu.memory_space<vmem>>, vector<16x128xf32>,
    } else {
    }
    %get3A = arith.constant 0 : index
    %get3A_2 = arith.constant 0 : index
    %get3A_3 = arith.constant 0 : index
    %get3A_4 = vector.load %arg3[%get3A, %get3A_2, %get3A_3] : memref<2x1000x128xf32, #tpu.memory_space<vmem>>, vector<1x1000x1xf32>
    %get3A_5 = vector.shape_cast %get3A_4 : vector<1x1000x1xf32> to vector<1000x1xf32>
    %get3A_6 = arith.constant 1 : index
    %get3A_7 = arith.constant 0 : index
    %get3A_8 = arith.constant 0 : index
    %get3A_9 = vector.load %arg3[%get3A_6, %get3A_7, %get3A_8] : memref<2x1000x128xf32, #tpu.memory_space<vmem>>, vector<1x1000x1xf32>
    %get3A_10 = vector.shape_cast %get3A_9 : vector<1x1000x1xf32> to vector<1000x1xf32>
    %add3A = arith.addf %get3A_5, %get3A_10 : vector<1000x1xf32>
    %add3A_11 = arith.constant 1.000000e+00 : f32
    %add3A_12 = vector.broadcast %add3A_11 : f32 to vector<1000x1xf32>
    %add3A_13 = arith.addf %add3A, %add3A_12 : vector<1000x1xf32>
    %rsqrt3A = math.rsqrt %add3A_13 : vector<1000x1xf32>
    %get3A_14 = arith.constant 0 : index
    %get3A_15 = arith.constant 0 : index
    %get3A_16 = arith.constant 0 : index
    %get3A_17 = vector.load %arg1[%get3A_14, %get3A_15, %get3A_16] : memref<2x1000x128xf32, #tpu.memory_space<vmem>>, vector<1x1000x128xf32>
    %get3A_18 = vector.shape_cast %get3A_17 : vector<1x1000x128xf32> to vector<1000x128xf32>
    %get3A_19 = arith.constant 1 : index
    %get3A_20 = arith.constant 0 : index
    %get3A_21 = arith.constant 0 : index
    %get3A_22 = vector.load %arg1[%get3A_19, %get3A_20, %get3A_21] : memref<2x1000x128xf32, #tpu.memory_space<vmem>>, vector<1x1000x128xf32>
    %get3A_23 = vector.shape_cast %get3A_22 : vector<1x1000x128xf32> to vector<1000x128xf32>
    %add3A_24 = arith.addf %get3A_18, %get3A_23 : vector<1000x128xf32>
    %get3A_25 = arith.constant 0 : index
    %get3A_26 = arith.constant 0 : index
    %get3A_27 = vector.load %arg2[%get3A_25, %get3A_26] : memref<1000x128xf32, #tpu.memory_space<vmem>>, vector<1000x128xf32>
    %add3A_28 = arith.addf %add3A_24, %get3A_27 : vector<1000x128xf32>
    %mul3A = vector.broadcast %rsqrt3A : vector<1000x1xf32> to vector<1000x128xf32>
    %mul3A_29 = arith.mulf %add3A_28, %mul3A : vector<1000x128xf32>
    %get3A_30 = arith.constant 0 : index
    %get3A_31 = arith.constant 0 : index
    %get3A_32 = vector.load %arg4[%get3A_30, %get3A_31] : memref<1x128xf32, #tpu.memory_space<vmem>>, vector<1x128xf32>
    %add3A_33 = vector.broadcast %get3A_32 : vector<1x128xf32> to vector<1000x128xf32>
    %add3A_34 = arith.addf %mul3A_29, %add3A_33 : vector<1000x128xf32>
    %get3A_35 = arith.constant 0 : index
    %get3A_36 = arith.constant 0 : index
    %get3A_37 = vector.load %arg5[%get3A_35, %get3A_36] : memref<1000x1xi32, #tpu.memory_space<vmem>>, vector<1000x1xi32>
    %iota3A = tpu.iota {dimensions = array<i32: 1>} : vector<1000x16xi32>
    %eq3A_38 = vector.broadcast %get3A_37 : vector<1000x1xi32> to vector<1000x16xi32>
    %eq3A_39 = arith.cmpi eq, %eq3A_38, %iota3A : vector<1000x16xi32>
    %convert_element_type3A_40 = arith.extui %eq3A_39 : vector<1000x16xi1> to vector<1000x16xi32>
    %convert_element_type3A_41 = arith.sitofp %convert_element_type3A_40 : vector<1000x16xi32> to vector<1000x16xf32>
    %get3A_42 = arith.constant 0 : index
    %get3A_43 = arith.constant 0 : index
    %get3A_44 = vector.load %arg13[%get3A_42, %get3A_43] : memref<16x128xf32, #tpu.memory_space<vmem>>, vector<16x128xf32>
    %dot_general3A = arith.constant dense<0.000000e+00> : vector<16x128xf32>
    %dot_general3A_45 = tpu.matmul %convert_element_type3A_41, %add3A_34, %dot_general3A {dimension_numbers = #tpu.dot_dimension_numbers<[0], [0], [1], [1], [0, 1, 1, 1], [], []>, transpose_lhs_hint = false} : vector<1000x16xf32>, vector<1000x128xf32>, vector<16x128xf32> -> vector<16x128xf32>
    %add3A_46 = arith.addf %get3A_44, %dot_general3A_45 : vector<16x128xf32>
    %swap3A = arith.constant 0 : index
    %swap3A_47 = arith.constant 0 : index
    %swap3A_48 = vector.load %arg13[%swap3A, %swap3A_47] : memref<16x128xf32, #tpu.memory_space<vmem>>, vector<16x128xf32>
    tpu.vector_store %arg13[%swap3A, %swap3A_47], %add3A_46 {strides = array<i32>} : memref<16x128xf32, #tpu.memory_space<vmem>>, vector<16x128xf32>,
    %get3A_49 = arith.constant 0 : index
    %get3A_50 = arith.constant 0 : index
    %get3A_51 = vector.load %arg14[%get3A_49, %get3A_50] : memref<16x128xf32, #tpu.memory_space<vmem>>, vector<16x128xf32>
    %broadcast_in_dim3A = arith.constant 1.000000e+00 : f32
    %broadcast_in_dim3A_52 = vector.broadcast %broadcast_in_dim3A : f32 to vector<1000x128xf32>
    %dot_general3A_53 = arith.constant dense<0.000000e+00> : vector<16x128xf32>
    %dot_general3A_54 = tpu.matmul %convert_element_type3A_41, %broadcast_in_dim3A_52, %dot_general3A_53 {dimension_numbers = #tpu.dot_dimension_numbers<[0], [0], [1], [1], [0, 1, 1, 1], [], []>, transpose_lhs_hint = false} : vector<1000x16xf32>, vector<1000x128xf32>, vector<16x128xf32> -> vector<16x128xf32>
    %add3A_55 = arith.addf %get3A_51, %dot_general3A_54 : vector<16x128xf32>
    %swap3A_56 = arith.constant 0 : index
    %swap3A_57 = arith.constant 0 : index
    %swap3A_58 = vector.load %arg14[%swap3A_56, %swap3A_57] : memref<16x128xf32, #tpu.memory_space<vmem>>, vector<16x128xf32>
    tpu.vector_store %arg14[%swap3A_56, %swap3A_57], %add3A_55 {strides = array<i32>} : memref<16x128xf32, #tpu.memory_space<vmem>>, vector<16x128xf32>,
    %eq3A_59 = arith.constant 9 : i32
    %eq3A_60 = arith.cmpi eq, %arg0, %eq3A_59 : i32
    %convert_element_type3A_61 = arith.extui %eq3A_60 : i1 to i32
    %cond3A_62 = arith.constant 0 : i32
    %cond3A_63 = arith.cmpi ne, %convert_element_type3A_61, %cond3A_62 : i32
    scf.if %cond3A_63 {
      %get3A_64 = arith.constant 0 : index
      %get3A_65 = arith.constant 0 : index
      %get3A_66 = vector.load %arg13[%get3A_64, %get3A_65] : memref<16x128xf32, #tpu.memory_space<vmem>>, vector<16x128xf32>
      %get3A_67 = arith.constant 0 : index
      %get3A_68 = arith.constant 0 : index
      %get3A_69 = vector.load %arg14[%get3A_67, %get3A_68] : memref<16x128xf32, #tpu.memory_space<vmem>>, vector<16x128xf32>
      %max3A = arith.constant 1.000000e+00 : f32
      %max3A_70 = vector.broadcast %max3A : f32 to vector<16x128xf32>
      %max3A_71 = arith.maximumf %get3A_69, %max3A_70 : vector<16x128xf32>
      %div3A = arith.divf %get3A_66, %max3A_71 : vector<16x128xf32>
      %get3A_72 = arith.constant 0 : index
      %get3A_73 = arith.constant 0 : index
      %get3A_74 = vector.load %arg6[%get3A_72, %get3A_73] : memref<128x128xf32, #tpu.memory_space<vmem>>, vector<128x128xf32>
      %dot_general3A_75 = arith.constant dense<0.000000e+00> : vector<16x128xf32>
      %dot_general3A_76 = tpu.matmul %div3A, %get3A_74, %dot_general3A_75 {dimension_numbers = #tpu.dot_dimension_numbers<[1], [0], [0], [1], [0, 0, 1, 1], [], []>, transpose_lhs_hint = false} : vector<16x128xf32>, vector<128x128xf32>, vector<16x128xf32> -> vector<16x128xf32>
      %get3A_77 = arith.constant 0 : index
      %get3A_78 = arith.constant 0 : index
      %get3A_79 = vector.load %arg7[%get3A_77, %get3A_78] : memref<1x128xf32, #tpu.memory_space<vmem>>, vector<1x128xf32>
      %add3A_80 = vector.broadcast %get3A_79 : vector<1x128xf32> to vector<16x128xf32>
      %add3A_81 = arith.addf %dot_general3A_76, %add3A_80 : vector<16x128xf32>
      %max3A_82 = arith.constant 0.000000e+00 : f32
      %max3A_83 = vector.broadcast %max3A_82 : f32 to vector<16x128xf32>
      %max3A_84 = arith.maximumf %add3A_81, %max3A_83 : vector<16x128xf32>
      %get3A_85 = arith.constant 0 : index
      %get3A_86 = arith.constant 0 : index
      %get3A_87 = vector.load %arg8[%get3A_85, %get3A_86] : memref<128x64xf32, #tpu.memory_space<vmem>>, vector<128x64xf32>
      %dot_general3A_88 = arith.constant dense<0.000000e+00> : vector<16x64xf32>
      %dot_general3A_89 = tpu.matmul %max3A_84, %get3A_87, %dot_general3A_88 {dimension_numbers = #tpu.dot_dimension_numbers<[1], [0], [0], [1], [0, 0, 1, 1], [], []>, transpose_lhs_hint = false} : vector<16x128xf32>, vector<128x64xf32>, vector<16x64xf32> -> vector<16x64xf32>
      %get3A_90 = arith.constant 0 : index
      %get3A_91 = arith.constant 0 : index
      %get3A_92 = vector.load %arg9[%get3A_90, %get3A_91] : memref<1x64xf32, #tpu.memory_space<vmem>>, vector<1x64xf32>
      %add3A_93 = vector.broadcast %get3A_92 : vector<1x64xf32> to vector<16x64xf32>
      %add3A_94 = arith.addf %dot_general3A_89, %add3A_93 : vector<16x64xf32>
      %max3A_95 = arith.constant 0.000000e+00 : f32
      %max3A_96 = vector.broadcast %max3A_95 : f32 to vector<16x64xf32>
      %max3A_97 = arith.maximumf %add3A_94, %max3A_96 : vector<16x64xf32>
      %get3A_98 = arith.constant 0 : index
      %get3A_99 = arith.constant 0 : index
      %get3A_100 = vector.load %arg10[%get3A_98, %get3A_99] : memref<64x4xf32, #tpu.memory_space<vmem>>, vector<64x4xf32>
      %dot_general3A_101 = arith.constant dense<0.000000e+00> : vector<16x4xf32>
      %dot_general3A_102 = tpu.matmul %max3A_97, %get3A_100, %dot_general3A_101 {dimension_numbers = #tpu.dot_dimension_numbers<[1], [0], [0], [1], [0, 0, 1, 1], [], []>, transpose_lhs_hint = false} : vector<16x64xf32>, vector<64x4xf32>, vector<16x4xf32> -> vector<16x4xf32>
      %get3A_103 = arith.constant 0 : index
      %get3A_104 = arith.constant 0 : index
      %get3A_105 = vector.load %arg11[%get3A_103, %get3A_104] : memref<1x4xf32, #tpu.memory_space<vmem>>, vector<1x4xf32>
      %add3A_106 = vector.broadcast %get3A_105 : vector<1x4xf32> to vector<16x4xf32>
      %add3A_107 = arith.addf %dot_general3A_102, %add3A_106 : vector<16x4xf32>
      %swap3A_108 = arith.constant 0 : index
      %swap3A_109 = arith.constant 0 : index
      %swap3A_110 = vector.load %arg12[%swap3A_108, %swap3A_109] : memref<16x4xf32, #tpu.memory_space<vmem>>, vector<16x4xf32>
      tpu.vector_store %arg12[%swap3A_108, %swap3A_109], %add3A_107 {strides = array<i32>} : memref<16x4xf32, #tpu.memory_space<vmem>>, vector<16x4xf32>,
    } else {
    }
    return
  }
  func.func @transform_0(%arg0: i32) -> (i32, i32, i32) {
    %c0_i32 = arith.constant 0 : i32
    %c0_i32_0 = arith.constant 0 : i32
    %c0_i32_1 = arith.constant 0 : i32
    return %c0_i32, %arg0, %c0_i32_0 : i32, i32, i32
  }
  func.func @transform_1(%arg0: i32) -> (i32, i32) {
    %c0_i32 = arith.constant 0 : i32
    %c0_i32_0 = arith.constant 0 : i32
    return %arg0, %c0_i32 : i32, i32
  }
  func.func @transform_2(%arg0: i32) -> (i32, i32, i32) {
    %c0_i32 = arith.constant 0 : i32
    %c0_i32_0 = arith.constant 0 : i32
    %c0_i32_1 = arith.constant 0 : i32
    return %c0_i32, %arg0, %c0_i32_0 : i32, i32, i32
  }
  func.func @transform_3(%arg0: i32) -> (i32, i32) {
    %c0_i32 = arith.constant 0 : i32
    %c0_i32_0 = arith.constant 0 : i32
    %c0_i32_1 = arith.constant 0 : i32
    return %c0_i32, %c0_i32_0 : i32, i32
  }
  func.func @transform_4(%arg0: i32) -> (i32, i32) {
    %c0_i32 = arith.constant 0 : i32
    %c0_i32_0 = arith.constant 0 : i32
    return %arg0, %c0_i32 : i32, i32
  }
  func.func @transform_5(%arg0: i32) -> (i32, i32) {
    %c0_i32 = arith.constant 0 : i32
    %c0_i32_0 = arith.constant 0 : i32
    %c0_i32_1 = arith.constant 0 : i32
    return %c0_i32, %c0_i32_0 : i32, i32
  }
  func.func @transform_6(%arg0: i32) -> (i32, i32) {
    %c0_i32 = arith.constant 0 : i32
    %c0_i32_0 = arith.constant 0 : i32
    %c0_i32_1 = arith.constant 0 : i32
    return %c0_i32, %c0_i32_0 : i32, i32
  }
  func.func @transform_7(%arg0: i32) -> (i32, i32) {
    %c0_i32 = arith.constant 0 : i32
    %c0_i32_0 = arith.constant 0 : i32
    %c0_i32_1 = arith.constant 0 : i32
    return %c0_i32, %c0_i32_0 : i32, i32
  }
  func.func @transform_8(%arg0: i32) -> (i32, i32) {
    %c0_i32 = arith.constant 0 : i32
    %c0_i32_0 = arith.constant 0 : i32
    %c0_i32_1 = arith.constant 0 : i32
    return %c0_i32, %c0_i32_0 : i32, i32
  }
  func.func @transform_9(%arg0: i32) -> (i32, i32) {
    %c0_i32 = arith.constant 0 : i32
    %c0_i32_0 = arith.constant 0 : i32
    %c0_i32_1 = arith.constant 0 : i32
    return %c0_i32, %c0_i32_0 : i32, i32
  }
  func.func @transform_10(%arg0: i32) -> (i32, i32) {
    %c0_i32 = arith.constant 0 : i32
    %c0_i32_0 = arith.constant 0 : i32
    %c0_i32_1 = arith.constant 0 : i32
    return %c0_i32, %c0_i32_0 : i32, i32
  }
  func.func @transform_11(%arg0: i32) -> (i32, i32) {
    %c0_i32 = arith.constant 0 : i32
    %c0_i32_0 = arith.constant 0 : i32
    %c0_i32_1 = arith.constant 0 : i32
    return %c0_i32, %c0_i32_0 : i32, i32
  }
}

</mosaic_0001>

<sc_bundles>
// kernel: kernel.11.cloned.1.call-start
scs
__scs_entry_jumppad:
0x0: {  	(pc) =	sbr.rel $0x88, $3  }
0x1: {  	(tag) =	ssettag $0x0;
	lr =	simm.s32 $0x1  }
0x2: {  	[smem:$0x3F90] =	sst lr;
	_ =	strace $0xD0000000  }
0x3: {  	_ = 	snop  }
0x4: {  	_ = 	snop  }
0x5: {  	_ = 	snop  }
0x6: {  	_ = 	snop  }
0x7: {  	_ = 	snop  }
__scs_overlays_trampoline_lowered:
0x8: {  	[smem:$0x3F9F] =	sst s0  }
0x9: {  	[smem:$0x3FA0] =	sst s1  }
0xa: {  	[smem:$0x3FA1] =	sst s2  }
0xb: {  	[smem:$0x3FA2] =	sst s3  }
0xc: {  	[smem:$0x3FA3] =	sst s4  }
0xd: {  	[smem:$0x3FA4] =	sst s5  }
0xe: {  	[smem:$0x3FA5] =	sst s6  }
0xf: {  	[smem:$0x3FA6] =	sst s7  }
0x10: {  	[smem:$0x3FA7] =	sst s8  }
0x11: {  	[smem:$0x3FA8] =	sst s9;
	s0 =	simm.s32 @!p0 $0x0  }
0x12: {  	s1 =	sld [smem:$0x3F8E];
	s0 =	simm.s32 @p0 $0x1  }
0x13: {  	[smem:$0x3FA9] =	sst s0;
	s0 =	simm.s32 @!p1 $0x0  }
0x14: {  	s2 =	sld [smem:$0x3F8D];
	s0 =	simm.s32 @p1 $0x1  }
0x15: {  	[smem:$0x3FAA] =	sst s0;
	s0 =	simm.s32 @!p2 $0x0  }
0x16: {  	s3 =	sld [smem:$0x3FDB];
	s0 =	simm.s32 @p2 $0x1  }
0x17: {  	s4 =	simm.s32 $0x1BF5;
	[smem:$0x3FAC] =	sst s0  }
0x18: {  	s0 =	sld [smem:$0x3F8F];
	_ =	swait.ge [sflag:s4], $0x0  }
0x19: {  	s7 =	sld [smem:$0x3F90]  }
0x1a: {  	s8 =	sadd.s32 $0xFFFFE003, lr  }
0x1b: {  	s9 =	sadd.s32 $0xFFFFFEF7, lr;
	s5 =	simm.s32 $0xFFFFFFFF;
	p2 =	slt.u32 s8, $0xFFFFF086  }
0x1c: {  	p1 =	slt.u32 s9, $0xF7A;
	s5 =	simm.s32 @!p2 $0x0  }
0x1d: {  	s5 =	simm.s32 @p1 $0x1;
	p0 =	seq.s32 s7, s2  }
0x1e: {  	s7 =	smul.u32 @!p0 $0xF7A, s2;
	p2 =	seq.s32 @!p0 s5, $0x0  }
0x1f: {  	s9 =	smul.u32 $0xF7A, s1;
	s8 =	simm.s32 @!p0 $0x1BF5;
	p2 =	por !p2, p0  }
0x20: {  	[sflag:s8] =	ssyncset.s32 @!p0 $0xFFFFF086;
	s6 =	sadd.s32 @!p0 s3, s7;
	s7 =	simm.s32 @!p0 $0x108  }
0x21: {  	s3 =	sadd.s32 s3, s9;
	s6 =	sadd.s32 @!p0 $0x88, s6;
	s7 =	simm.s32 @p2 $0x1082  }
0x22: {  	[simem:s7], [sflag:s8] =	dma.local @!p0 [hbm:s6], $0xF7A  }
0x23: {  	s9 =	sor.u32 $0xD0000000, s2;
	s6 =	simm.s32 $0x108;
	_ =	swait.ge @!p0 [sflag:s8], $0x0  }
0x24: {  	s3 =	sadd.s32 $0x88, s3;
	s6 =	simm.s32 @!p1 $0x1082;
	[sflag:s4] =	ssyncset.s32 $0xFFFFF086  }
0x25: {  	[simem:s6], [sflag:s4] =	dma.local [hbm:s3], $0xF7A  }
0x26: {  	[smem:$0x3F90] =	sst s1;
	(tag) =	ssettag s2;
	_ =	strace s9  }
0x27: {  	s1 =	sld [smem:$0x3FA0]  }
0x28: {  	s2 =	sld [smem:$0x3FA1]  }
0x29: {  	s4 =	sld [smem:$0x3FA3]  }
0x2a: {  	p0 =	seq.s32 s5, $0x0;
	s5 =	sld [smem:$0x3FA4]  }
0x2b: {  	s6 =	sld [smem:$0x3FA5]  }
0x2c: {  	s7 =	sld [smem:$0x3FA6]  }
0x2d: {  	s3 =	simm.s32 $0x108;
	s8 =	sld [smem:$0x3FA7]  }
0x2e: {  	s3 =	simm.s32 @!p0 $0x1082;
	s9 =	sld [smem:$0x3FA8]  }
0x2f: {  	lr =	sadd.s32 s0, s3;
	s0 =	sld [smem:$0x3F9F]  }
0x30: {  	s3 =	sld [smem:$0x3FA2]  }
0x31: {  	[smem:$0x3FAB] =	sst s10  }
0x32: {  	s10 =	sld [smem:$0x3FA9];
	_ =	sdelay $0x3  }
0x33: {  	p0 =	seq.s32 s10, $0x1;
	s10 =	sld [smem:$0x3FAB];
	_ =	sdelay $0x3  }
0x34: {  	[smem:$0x3FAB] =	sst s10  }
0x35: {  	s10 =	sld [smem:$0x3FAA];
	_ =	sdelay $0x3  }
0x36: {  	p1 =	seq.s32 s10, $0x1;
	s10 =	sld [smem:$0x3FAB];
	_ =	sdelay $0x3  }
0x37: {  	[smem:$0x3FAB] =	sst s10  }
0x38: {  	s10 =	sld [smem:$0x3FAC]  }
0x39: {  	_ = 	snop;
	(pc) =	sbr.ind lr, $3  }
0x3a: {  	_ = 	snop  }
0x3b: {  	_ = 	snop  }
0x3c: {  	p2 =	seq.s32 s10, $0x1;
	s10 =	sld [smem:$0x3FAB]  }
0x3d: {  	_ =	shalt  }
0x3e: {  	_ =	shalt  }
0x3f: {  	_ =	shalt  }
0x40: {  	_ =	shalt  }
0x41: {  	_ =	shalt  }
0x42: {  	_ =	shalt  }
0x43: {  	_ =	shalt  }
0x44: {  	_ =	shalt  }
0x45: {  	_ =	shalt  }
0x46: {  	_ =	shalt  }
0x47: {  	_ =	shalt  }
0x48: {  	_ =	shalt  }
0x49: {  	_ =	shalt  }
0x4a: {  	_ =	shalt  }
0x4b: {  	_ =	shalt  }
0x4c: {  	_ =	shalt  }
0x4d: {  	_ =	shalt  }
0x4e: {  	_ =	shalt  }
0x4f: {  	_ =	shalt  }
0x50: {  	_ =	shalt  }
0x51: {  	_ =	shalt  }
0x52: {  	_ =	shalt  }
0x53: {  	_ =	shalt  }
0x54: {  	_ =	shalt  }
0x55: {  	_ =	shalt  }
0x56: {  	_ =	shalt  }
0x57: {  	_ =	shalt  }
0x58: {  	_ =	shalt  }
0x59: {  	_ =	shalt  }
0x5a: {  	_ =	shalt  }
0x5b: {  	_ =	shalt  }
0x5c: {  	_ =	shalt  }
0x5d: {  	_ =	shalt  }
0x5e: {  	_ =	shalt  }
0x5f: {  	_ =	shalt  }
0x60: {  	_ =	shalt  }
0x61: {  	_ =	shalt  }
0x62: {  	_ =	shalt  }
0x63: {  	_ =	shalt  }
0x64: {  	_ =	shalt  }
0x65: {  	_ =	shalt  }
0x66: {  	_ =	shalt  }
0x67: {  	_ =	shalt  }
0x68: {  	_ =	shalt  }
0x69: {  	_ =	shalt  }
0x6a: {  	_ =	shalt  }
0x6b: {  	_ =	shalt  }
0x6c: {  	_ =	shalt  }
0x6d: {  	_ =	shalt  }
0x6e: {  	_ =	shalt  }
0x6f: {  	_ =	shalt  }
0x70: {  	_ =	shalt  }
0x71: {  	_ =	shalt  }
0x72: {  	_ =	shalt  }
0x73: {  	_ =	shalt  }
0x74: {  	_ =	shalt  }
0x75: {  	_ =	shalt  }
0x76: {  	_ =	shalt  }
0x77: {  	_ =	shalt  }
0x78: {  	_ =	shalt  }
0x79: {  	_ =	shalt  }
0x7a: {  	_ =	shalt  }
0x7b: {  	_ =	shalt  }
0x7c: {  	_ =	shalt  }
0x7d: {  	_ =	shalt  }
0x7e: {  	_ =	shalt  }
0x7f: {  	_ =	shalt  }
0x80: {  	_ =	shalt  }
0x81: {  	_ =	shalt  }
0x82: {  	_ =	shalt  }
0x83: {  	_ =	shalt  }
0x84: {  	_ =	shalt  }
0x85: {  	_ =	shalt  }
0x86: {  	_ =	shalt  }
0x87: {  	_ =	shalt  }
.Lfunc_end0:
.L_simem_size_0:
called_computation.1_lowered:
.L_overlay_start_0:
0x88: {  	s2 =	sld [smem:$0x3FD9]  }
0x89: {  	s3 =	sld [smem:$0x3FFE];
	_ =	sdelay $0x1  }
0x8a: {  	s1 =	srdreg.scid  }
0x8b: {  	s0 =	sand.u32 $0x1, s1  }
0x8c: {  	s16 =	sshll.u32 s0, $0xA;
	s2 =	sadd.s32 s3, s2  }
0x8d: {  	s2 =	sadd.s32 s2, s16  }
0x8e: {  	[smem:$0x3FB7] =	sst s2  }
0x8f: {  	_ = 	snop  }
0x90: {  	(tm) =	ssettm $0x1  }
0x91: {  	s17 =	sld [smem:$0x3FFB];
	_ =	sdelay $0x3  }
0x92: {  	_ =	strace s17  }
0x93: {  	s2 =	sld [smem:$0x3FFC];
	_ =	sdelay $0x3  }
0x94: {  	_ =	strace s2  }
0x95: {  	s2 =	sld [smem:$0x3FFD];
	_ =	sdelay $0x3  }
0x96: {  	_ =	strace s2  }
0x97: {  	_ =	strace $0x8FFFFFFF  }
0x98: {  	s18 =	sld [smem:$0x3FDB];
	_ =	sdelay $0x1  }
0x99: {  	s19 =	simm.s32 $_scs_section_size  }
0x9a: {  	s4 =	simm.s32 $_size__tile_overlayer_lowered;
	s5 =	simm.s32 $_tile_overlayer_lowered  }
0x9b: {  	s22 =	simm.s32 $0x1BFF;
	s21 =	sshll.u32 s5, $0x1;
	s2 =	sadd.s32 s19, s18  }
0x9c: {  	s6 =	simm.s32 $0x0;
	s20 =	sshll.u32 s4, $0x1;
	s4 =	sadd.s32 s21, s2  }
0x9d: {  	[timem:s6], [sflag:s22] =	dma.local [hbm:s4], s20  }
0x9e: {  	_ =	swait.ge [sflag:s22], s20  }
0x9f: {  	s3 =	ssub.s32 $0x0, s20;
	[sflag:s22] =	ssyncset.done $0x0  }
0xa0: {  	[sflag:s22] =	ssyncadd.s32 s3;
	_ =	sdelay $0x1  }
0xa1: {  	s23 =	simm.s32 $0x1B8B  }
0xa2: {  	_ =	swait.ge [sflag:s23], $0x1  }
0xa3: {  	[sflag:s23] =	ssyncset.done $0x0  }
0xa4: {  	s25 =	simm.s32 $0x1B8E;
	s24 =	sld [smem:$0x3FFE];
	[sflag:s23] =	ssyncadd.s32 $0xFFFFFFFF  }
0xa5: {  	s26 =	simm.s32 $execute0_lowered;
	[smem:$0x3FD2] =	sst s25  }
0xa6: {  	s4 =	sshll.u32 s26, $0x1;
	_ =	strace $0x80000049;
	[dreg:$0x1] =	wrdreg $0xFFFFFFFF  }
0xa7: {  	s28 =	simm.s32 $_size_execute0_lowered;
	s2 =	sadd.s32 s2, s4;
	[dreg:$0x0] =	wrdreg $0x0  }
0xa8: {  	s4 =	sshll.u32 s28, $0x1;
	[dreg:$0x2] =	wrdreg s2  }
0xa9: {  	[dreg:$0x3] =	wrdreg s4  }
0xaa: {  	[dreg:$0x4] =	wrdreg $0xC0  }
0xab: {  	_ =	task [dreg:s6], $0x5FFFF  }
0xac: {  	[dreg:$0x1] =	wrdreg $0xFFFFFFFF  }
0xad: {  	[dreg:$0x0] =	wrdreg $0x60  }
0xae: {  	[dreg:$0x2] =	wrdreg s24  }
0xaf: {  	[dreg:$0x3] =	wrdreg $0x82000  }
0xb0: {  	[dreg:$0x4] =	wrdreg $0x9  }
0xb1: {  	_ =	task.clear_ibuf [dreg:s6], $0x5FFFF;
	_ =	strace $0x90000049  }
0xb2: {  	s29 =	simm.s32 $0x9;
	_ =	strace $0x8000004B  }
0xb3: {  	_ =	swait.ge [sflag:s29], $0x1  }
0xb4: {  	[sflag:s29] =	ssyncadd.s32 $0xFFFFFFFF  }
0xb5: {  	_ =	strace $0x9000004B  }
0xb6: {  	_ =	sfence  }
0xb7: {  	s30 =	sld [smem:$0x0];
	_ =	sdelay $0x2  }
0xb8: {  	s31 =	sshll.u32 s1, $0xD;
	s1 =	sshrl.u32 s1, $0x2  }
0xb9: {  	s3 =	sand.u32 $0x4000, s31;
	s1 =	sadd.s32 s1, s30  }
0xba: {  	s0 =	sor.u32 s3, s0;
	s1 =	sshll.u32 s1, $0x11  }
0xbb: {  	s0 =	sor.u32 s1, s0  }
0xbc: {  	s0 =	sadd.s32 $0x8F2B, s0  }
0xbd: {  	[sflag:s0] =	ssyncadd.remote.s32 $0x1  }
0xbe: {  	_ =	sfence.sel $0xFFFF  }
0xbf: {  	[dreg:$0x0] =	wrdreg $0xFFFFFFFF;
	(pc) =	sbr.abs _section_cstart, $3  }
0xc0: {  	[dreg:$0x1] =	wrdreg $0xFFFFFFFF  }
0xc1: {  	_ =	task.clear_ibuf [dreg:s6], $0x2FFFF;
	_ =	strace $0x9FFFFFFF  }
0xc2: {  	(tm) =	ssettm $0x7FFFFFFF  }
0xc3: {  	_ =	shalt  }
tec
execute0_lowered:
.L_overlay_start_1:
0x0: {  	(tag) =	ssettag $0x1  }
0x1: {  	s0 =	rddreg [dreg:$0x0]  }
0x2: {  	s1 =	rddreg [dreg:$0x1];
	s2 =	srdreg.scid;
	s3 =	simm.s32 $0x0  }
0x3: {  	s13 =	stileid.u32;
	s28 =	simm.s32 $0x180;
	s29 =	simm.s32 $0x4200  }
0x4: {  	s30 =	simm.s32 $0x1;
	s31 =	simm.s32 $0x2;
	s2 =	sand.u32 $0x1, s2  }
0x5: {  	[smem:$0x7FF] =	sst s3;
	s8 =	smul.u32 $0x14000, s13;
	s4 =	sadd.s32 $0x68800, s0  }
0x6: {  	s5 =	sadd.s32 $0x3C00, s0;
	s6 =	sadd.s32 $0x7C400, s0;
	s12 =	smul.u32 $0x50000, s13  }
0x7: {  	s11 =	sshll.u32 s13, $0x1;
	s14 =	sshll.u32 s13, $0x6;
	s15 =	smul.u32 $0x9E00, s13  }
0x8: {  	s7 =	smul.u32 $0x140000, s2;
	_ =	strace $0x8000004A;
	s9 =	ssub.s32 $0x2, s2  }
0x9: {  	s25 =	sor.u32 s2, s11;
	s2 =	smul.u32 $0x4F00, s2;
	s10 =	sshrl.u32 s9, $0x1  }
0xa: {  	s26 =	smul.u32 $0x4F00, s25;
	s12 =	sshrl.u32 s12, $0x2;
	s8 =	sadd.s32 s8, s7  }
0xb: {  	s7 =	sadd.s32 $0x17800, s0;
	s9 =	ssub.s32 s9, s10;
	s18 =	sadd.s32 s12, s1  }
0xc: {  	s2 =	sadd.s32 s2, s15;
	s8 =	sshrl.u32 s8, $0x3;
	s20 =	sadd.s32 $0x4000, s18  }
0xd: {  	s21 =	sadd.s32 $0x8000, s18;
	s22 =	sadd.s32 $0xC000, s18;
	s23 =	sadd.s32 $0x10000, s18  }
0xe: {  	s10 =	sshrl.u32 s26, $0x3;
	s24 =	sor.u32 $0x80, s2;
	s15 =	sadd.s32 $0x100, s2  }
0xf: {  	s18 =	sshrl.u32 s18, $0x3;
	s0 =	sadd.s32 s8, s0;
	s8 =	sor.u32 $0x1C03, s14  }
0x10: {  	s16 =	sadd.s32 s4, s10;
	s17 =	sadd.s32 $0x9D0, s10;
	s10 =	sadd.s32 s5, s10  }
0x11: {  	s26 =	sshrl.u32 s24, $0x3;
	s14 =	smax.u32 s9, $0x1;
	s20 =	sshrl.u32 s20, $0x3  }
0x12: {  	s21 =	sshrl.u32 s21, $0x3;
	s22 =	sshrl.u32 s22, $0x3;
	[dreg:$0x3] =	wrdreg s16  }
0x13: {  	s23 =	sshrl.u32 s23, $0x3;
	[dreg:$0x4] =	wrdreg s10;
	s19 =	sadd.s32 s4, s17  }
0x14: {  	s24 =	simm.s32 $0x100;
	s25 =	sadd.s32 s5, s17;
	[dreg:$0x5] =	wrdreg s19  }
0x15: {  	s0 =	sadd.s32 $0xA3600, s0;
	s16 =	sadd.s32 s26, s5;
	[dreg:$0x6] =	wrdreg s25  }
0x16: {  	s17 =	sadd.s32 s26, s4;
	s26 =	simm.s32 $0x200;
	[dreg:$0x7] =	wrdreg s0  }
0x17: {  	s19 =	simm.s32 $0x3;
	s25 =	simm.s32 $0x80;
	s0 =	simm.s32 $0x0  }
.LBB2_1:
0x18: {  	[spmem:s18], [sflag:s8] =	dma.local [hbm:s7], $0x800  }
0x19: {  	_ =	swait.ge [sflag:s19], $0x800  }
0x1a: {  	[sflag:s19] =	ssyncset.done $0x0  }
0x1b: {  	[sflag:s19] =	ssyncadd.s32 $0xFFFFF800  }
0x1c: {  	[spmem:s20], [sflag:s8] =	dma.local [hbm:s7], $0x800  }
0x1d: {  	_ =	swait.ge [sflag:s19], $0x800  }
0x1e: {  	[sflag:s19] =	ssyncset.done $0x0  }
0x1f: {  	[sflag:s19] =	ssyncadd.s32 $0xFFFFF800  }
0x20: {  	[spmem:s21], [sflag:s8] =	dma.local [hbm:s7], $0x800  }
0x21: {  	_ =	swait.ge [sflag:s19], $0x800  }
0x22: {  	[sflag:s19] =	ssyncset.done $0x0  }
0x23: {  	[sflag:s19] =	ssyncadd.s32 $0xFFFFF800  }
0x24: {  	[spmem:s22], [sflag:s8] =	dma.local [hbm:s7], $0x800  }
0x25: {  	_ =	swait.ge [sflag:s19], $0x800  }
0x26: {  	[sflag:s19] =	ssyncset.done $0x0  }
0x27: {  	[sflag:s19] =	ssyncadd.s32 $0xFFFFF800  }
0x28: {  	[spmem:s23], [sflag:s8] =	dma.local [hbm:s7], $0x800  }
0x29: {  	_ =	swait.ge [sflag:s19], $0x800  }
0x2a: {  	[sflag:s19] =	ssyncset.done $0x0  }
0x2b: {  	s2 =	rddreg [dreg:$0x3];
	[sflag:s19] =	ssyncadd.s32 $0xFFFFF800  }
0x2c: {  	[tilespmem:s3], [sflag:$0x3] =	stream.linear.gather [hbm4b:s2+s3], $0x80, $0x38;
	[tilespmem:$0x1C200] =	vst v63  }
0x2d: {  	_ =	swait.ge [sflag:s19], $0x80  }
0x2e: {  	[sflag:s19] =	ssyncset.done $0x0  }
0x2f: {  	s10 =	rddreg [dreg:$0x4];
	[sflag:s19] =	ssyncadd.s32 $0xFFFFFF80  }
0x30: {  	[tilespmem:s24], [sflag:$0x3] =	stream.linear.gather [hbm4b:s10+s3], $0x80, $0x38;
	[tilespmem:$0x1C200] =	vst v63  }
0x31: {  	_ =	swait.ge [sflag:s19], $0x80  }
0x32: {  	[sflag:s19] =	ssyncset.done $0x0  }
0x33: {  	[sflag:s19] =	ssyncadd.s32 $0xFFFFFF80  }
0x34: {  	[tilespmem:s26], [sflag:$0x1] =	stream.indirect.gather [hbm4b:s6+s25], $0x80, s3, s25, $0xb8;
	[tilespmem:$0x1C200] =	vst v63  }
0x35: {  	s11 =	sadd.s32 $0x0, s17;
	[bflag:$0x0] =	sbarrier.arrive $0xFFFF  }
0x36: {  	[tilespmem:s25], [sflag:$0x3] =	stream.linear.gather [hbm4b:s11+s3], $0x80, $0x38;
	[tilespmem:$0x1C200] =	vst v63  }
0x37: {  	_ =	swait.ge [sflag:s19], $0x80  }
0x38: {  	[sflag:s19] =	ssyncset.done $0x0  }
0x39: {  	s12 =	sadd.s32 $0x0, s16;
	[sflag:s19] =	ssyncadd.s32 $0xFFFFFF80  }
0x3a: {  	[tilespmem:s28], [sflag:$0x3] =	stream.linear.gather [hbm4b:s12+s3], $0x80, $0x38;
	[tilespmem:$0x1C200] =	vst v63  }
0x3b: {  	_ =	swait.ge [sflag:s19], $0x80  }
0x3c: {  	[sflag:s19] =	ssyncset.done $0x0  }
0x3d: {  	[sflag:s19] =	ssyncadd.s32 $0xFFFFFF80  }
0x3e: {  	[tilespmem:s29], [sflag:$0x2] =	stream.indirect.gather [hbm4b:s6+s25], $0x80, s25, s25, $0xb8;
	[tilespmem:$0x1C200] =	vst v63  }
0x3f: {  	_ =	swait.ge [sflag:s30], $0x4000  }
0x40: {  	[sflag:s30] =	ssyncset.done $0x0  }
0x41: {  	[sflag:s30] =	ssyncadd.s32 $0xFFFFC000  }
0x42: {  	[spmem:s1] =	stream.indirect.scatter.add.f32 [tilespmem:s26], [sflag:$0x3], $0x80, s24, s25, $0xb8;
	[tilespmem:$0x1C200] =	vst v63  }
0x43: {  	_ =	swait.ge [sflag:s19], $0x4000  }
0x44: {  	s13 =	sshrl.u32 s15, $0x3;
	[sflag:s19] =	ssyncset.done $0x0  }
0x45: {  	s9 =	sadd.s32 s4, s13;
	[sflag:s19] =	ssyncadd.s32 $0xFFFFC000  }
0x46: {  	[tilespmem:s3], [sflag:$0x3] =	stream.linear.gather [hbm4b:s9+s3], $0x80, $0x38;
	[tilespmem:$0x1C200] =	vst v63  }
0x47: {  	_ =	swait.ge [sflag:s19], $0x80  }
0x48: {  	[sflag:s19] =	ssyncset.done $0x0  }
0x49: {  	s2 =	sadd.s32 s5, s13;
	[sflag:s19] =	ssyncadd.s32 $0xFFFFFF80  }
0x4a: {  	[tilespmem:s24], [sflag:$0x3] =	stream.linear.gather [hbm4b:s2+s3], $0x80, $0x38;
	[tilespmem:$0x1C200] =	vst v63  }
0x4b: {  	_ =	swait.ge [sflag:s19], $0x80  }
0x4c: {  	[sflag:s19] =	ssyncset.done $0x0  }
0x4d: {  	[sflag:s19] =	ssyncadd.s32 $0xFFFFFF80  }
0x4e: {  	[tilespmem:s26], [sflag:$0x1] =	stream.indirect.gather [hbm4b:s6+s25], $0x80, s3, s25, $0xb8;
	[tilespmem:$0x1C200] =	vst v63  }
0x4f: {  	_ =	swait.ge [sflag:s31], $0x4000  }
0x50: {  	[sflag:s31] =	ssyncset.done $0x0  }
0x51: {  	[sflag:s31] =	ssyncadd.s32 $0xFFFFC000  }
0x52: {  	[spmem:s1] =	stream.indirect.scatter.add.f32 [tilespmem:s29], [sflag:$0x3], $0x80, s28, s25, $0xb8;
	[tilespmem:$0x1C200] =	vst v63  }
0x53: {  	s10 =	simm.s32 $0x40;
	_ =	swait.ge [sflag:s19], $0x4000  }
0x54: {  	s9 =	simm.s32 $0x20;
	s2 =	sadd.s32 $0x100, s15;
	[sflag:s19] =	ssyncset.done $0x0  }
.LBB2_2:
0x55: {  	s12 =	sadd.s32 s9, s17  }
0x56: {  	[sflag:s19] =	ssyncadd.s32 $0xFFFFC000;
	s13 =	smov.u32 s10;
	s11 =	sadd.s32 $0x20, s10  }
0x57: {  	[tilespmem:s25], [sflag:$0x3] =	stream.linear.gather [hbm4b:s12+s3], $0x80, $0x38;
	[tilespmem:$0x1C200] =	vst v63  }
0x58: {  	p0 =	sne.s32 s10, $0x9A0;
	_ =	swait.ge [sflag:s19], $0x80  }
0x59: {  	[sflag:s19] =	ssyncset.done $0x0  }
0x5a: {  	s10 =	sadd.s32 s9, s16;
	s9 =	smov.u32 s13;
	[sflag:s19] =	ssyncadd.s32 $0xFFFFFF80  }
0x5b: {  	[tilespmem:s28], [sflag:$0x3] =	stream.linear.gather [hbm4b:s10+s3], $0x80, $0x38;
	[tilespmem:$0x1C200] =	vst v63  }
0x5c: {  	_ =	swait.ge [sflag:s19], $0x80  }
0x5d: {  	[sflag:s19] =	ssyncset.done $0x0  }
0x5e: {  	[sflag:s19] =	ssyncadd.s32 $0xFFFFFF80  }
0x5f: {  	[tilespmem:s29], [sflag:$0x2] =	stream.indirect.gather [hbm4b:s6+s25], $0x80, s25, s25, $0xb8;
	[tilespmem:$0x1C200] =	vst v63  }
0x60: {  	_ =	swait.ge [sflag:s30], $0x4000  }
0x61: {  	[sflag:s30] =	ssyncset.done $0x0  }
0x62: {  	[sflag:s30] =	ssyncadd.s32 $0xFFFFC000  }
0x63: {  	[spmem:s1] =	stream.indirect.scatter.add.f32 [tilespmem:s26], [sflag:$0x3], $0x80, s24, s25, $0xb8;
	[tilespmem:$0x1C200] =	vst v63  }
0x64: {  	_ =	swait.ge [sflag:s19], $0x4000  }
0x65: {  	s10 =	sshrl.u32 s2, $0x3;
	[sflag:s19] =	ssyncset.done $0x0  }
0x66: {  	s12 =	sadd.s32 s4, s10;
	[sflag:s19] =	ssyncadd.s32 $0xFFFFC000  }
0x67: {  	[tilespmem:s3], [sflag:$0x3] =	stream.linear.gather [hbm4b:s12+s3], $0x80, $0x38;
	[tilespmem:$0x1C200] =	vst v63  }
0x68: {  	_ =	swait.ge [sflag:s19], $0x80  }
0x69: {  	[sflag:s19] =	ssyncset.done $0x0  }
0x6a: {  	s10 =	sadd.s32 s5, s10;
	[sflag:s19] =	ssyncadd.s32 $0xFFFFFF80  }
0x6b: {  	[tilespmem:s24], [sflag:$0x3] =	stream.linear.gather [hbm4b:s10+s3], $0x80, $0x38;
	[tilespmem:$0x1C200] =	vst v63  }
0x6c: {  	_ =	swait.ge [sflag:s19], $0x80  }
0x6d: {  	[sflag:s19] =	ssyncset.done $0x0  }
0x6e: {  	[sflag:s19] =	ssyncadd.s32 $0xFFFFFF80  }
0x6f: {  	[tilespmem:s26], [sflag:$0x1] =	stream.indirect.gather [hbm4b:s6+s25], $0x80, s3, s25, $0xb8;
	[tilespmem:$0x1C200] =	vst v63  }
0x70: {  	_ =	swait.ge [sflag:s31], $0x4000  }
.Ltmp0:
0x71: {  	[sflag:s31] =	ssyncset.done $0x0;
	(pc) =	sbr.rel @p0 .LBB2_2-.Ltmp0, $4  }
0x72: {  	[sflag:s31] =	ssyncadd.s32 $0xFFFFC000  }
0x73: {  	[spmem:s1] =	stream.indirect.scatter.add.f32 [tilespmem:s29], [sflag:$0x3], $0x80, s28, s25, $0xb8;
	[tilespmem:$0x1C200] =	vst v63  }
0x74: {  	_ =	swait.ge [sflag:s19], $0x4000  }
0x75: {  	s2 =	sadd.s32 $0x100, s2;
	s10 =	smov.u32 s11;
	[sflag:s19] =	ssyncset.done $0x0  }
0x76: {  	s10 =	sadd.s32 s9, s17;
	[sflag:s19] =	ssyncadd.s32 $0xFFFFC000  }
0x77: {  	[tilespmem:s25], [sflag:$0x3] =	stream.linear.gather [hbm4b:s10+s3], $0x80, $0x38;
	[tilespmem:$0x1C200] =	vst v63  }
0x78: {  	_ =	swait.ge [sflag:s19], $0x80  }
0x79: {  	[sflag:s19] =	ssyncset.done $0x0  }
0x7a: {  	s13 =	sadd.s32 s9, s16;
	[sflag:s19] =	ssyncadd.s32 $0xFFFFFF80  }
0x7b: {  	[tilespmem:s28], [sflag:$0x3] =	stream.linear.gather [hbm4b:s13+s3], $0x80, $0x38;
	[tilespmem:$0x1C200] =	vst v63  }
0x7c: {  	_ =	swait.ge [sflag:s19], $0x80  }
0x7d: {  	[sflag:s19] =	ssyncset.done $0x0  }
0x7e: {  	[sflag:s19] =	ssyncadd.s32 $0xFFFFFF80  }
0x7f: {  	[tilespmem:s29], [sflag:$0x2] =	stream.indirect.gather [hbm4b:s6+s25], $0x80, s25, s25, $0xb8;
	[tilespmem:$0x1C200] =	vst v63  }
0x80: {  	_ =	swait.ge [sflag:s30], $0x4000  }
0x81: {  	[sflag:s30] =	ssyncset.done $0x0  }
0x82: {  	[sflag:s30] =	ssyncadd.s32 $0xFFFFC000  }
0x83: {  	[spmem:s1] =	stream.indirect.scatter.add.f32 [tilespmem:s26], [sflag:$0x3], $0x80, s24, s25, $0xb8;
	[tilespmem:$0x1C200] =	vst v63  }
0x84: {  	_ =	swait.ge [sflag:s19], $0x4000  }
0x85: {  	s2 =	sshrl.u32 s2, $0x3;
	[sflag:s19] =	ssyncset.done $0x0  }
0x86: {  	s10 =	sadd.s32 s4, s2;
	[sflag:s19] =	ssyncadd.s32 $0xFFFFC000  }
0x87: {  	[tilespmem:s3], [sflag:$0x3] =	stream.linear.gather [hbm4b:s10+s3], $0x80, $0x38;
	[tilespmem:$0x1C200] =	vst v63  }
0x88: {  	_ =	swait.ge [sflag:s19], $0x80  }
0x89: {  	[sflag:s19] =	ssyncset.done $0x0  }
0x8a: {  	s2 =	sadd.s32 s5, s2;
	[sflag:s19] =	ssyncadd.s32 $0xFFFFFF80  }
0x8b: {  	[tilespmem:s24], [sflag:$0x3] =	stream.linear.gather [hbm4b:s2+s3], $0x80, $0x38;
	[tilespmem:$0x1C200] =	vst v63  }
0x8c: {  	_ =	swait.ge [sflag:s19], $0x80  }
0x8d: {  	[sflag:s19] =	ssyncset.done $0x0  }
0x8e: {  	[sflag:s19] =	ssyncadd.s32 $0xFFFFFF80  }
0x8f: {  	[tilespmem:s26], [sflag:$0x1] =	stream.indirect.gather [hbm4b:s6+s25], $0x80, s3, s25, $0xb8;
	[tilespmem:$0x1C200] =	vst v63  }
0x90: {  	_ =	swait.ge [sflag:s31], $0x4000  }
0x91: {  	[sflag:s31] =	ssyncset.done $0x0  }
0x92: {  	[sflag:s31] =	ssyncadd.s32 $0xFFFFC000  }
0x93: {  	[spmem:s1] =	stream.indirect.scatter.add.f32 [tilespmem:s29], [sflag:$0x3], $0x80, s28, s25, $0xb8;
	[tilespmem:$0x1C200] =	vst v63  }
0x94: {  	_ =	swait.ge [sflag:s19], $0x4000  }
0x95: {  	[sflag:s19] =	ssyncset.done $0x0  }
0x96: {  	s11 =	rddreg [dreg:$0x5];
	[sflag:s19] =	ssyncadd.s32 $0xFFFFC000  }
0x97: {  	[tilespmem:s25], [sflag:$0x3] =	stream.linear.gather [hbm4b:s11+s3], $0x80, $0x38;
	[tilespmem:$0x1C200] =	vst v63  }
0x98: {  	_ =	swait.ge [sflag:s19], $0x80  }
0x99: {  	[sflag:s19] =	ssyncset.done $0x0  }
0x9a: {  	s12 =	rddreg [dreg:$0x6];
	[sflag:s19] =	ssyncadd.s32 $0xFFFFFF80  }
0x9b: {  	[tilespmem:s28], [sflag:$0x3] =	stream.linear.gather [hbm4b:s12+s3], $0x80, $0x38;
	[tilespmem:$0x1C200] =	vst v63  }
0x9c: {  	_ =	swait.ge [sflag:s19], $0x80  }
0x9d: {  	[sflag:s19] =	ssyncset.done $0x0  }
0x9e: {  	[sflag:s19] =	ssyncadd.s32 $0xFFFFFF80  }
0x9f: {  	[tilespmem:s29], [sflag:$0x2] =	stream.indirect.gather [hbm4b:s6+s25], $0x80, s25, s25, $0xb8;
	[tilespmem:$0x1C200] =	vst v63  }
0xa0: {  	_ =	swait.ge [sflag:s30], $0x4000  }
0xa1: {  	[sflag:s30] =	ssyncset.done $0x0  }
0xa2: {  	[sflag:s30] =	ssyncadd.s32 $0xFFFFC000  }
0xa3: {  	[spmem:s1] =	stream.indirect.scatter.add.f32 [tilespmem:s26], [sflag:$0x3], $0x80, s24, s25, $0xb8;
	[tilespmem:$0x1C200] =	vst v63  }
0xa4: {  	_ =	swait.ge [sflag:s19], $0x4000  }
0xa5: {  	[sflag:s19] =	ssyncset.done $0x0  }
0xa6: {  	[sflag:s19] =	ssyncadd.s32 $0xFFFFC000  }
0xa7: {  	_ =	swait.ge [sflag:s31], $0x4000  }
0xa8: {  	[sflag:s31] =	ssyncset.done $0x0  }
0xa9: {  	[sflag:s31] =	ssyncadd.s32 $0xFFFFC000  }
0xaa: {  	[spmem:s1] =	stream.indirect.scatter.add.f32 [tilespmem:s29], [sflag:$0x3], $0x80, s28, s25, $0xb8;
	[tilespmem:$0x1C200] =	vst v63  }
0xab: {  	_ =	swait.ge [sflag:s19], $0x4000  }
0xac: {  	[sflag:s19] =	ssyncset.done $0x0  }
0xad: {  	s0 =	sadd.s32 $0x1, s0;
	[sflag:s19] =	ssyncadd.s32 $0xFFFFC000  }
0xae: {  	p0 =	sne.s32 s0, s14;
	[bflag:$0x0] =	sbarrier.arrive $0xFFFF  }
.Ltmp1:
0xaf: {  	s13 =	rddreg [dreg:$0x7];
	(pc) =	sbr.rel @p0 .LBB2_1-.Ltmp1, $4  }
0xb0: {  	[hbm:s13], [sflag:s8] =	dma.local [spmem:s18], $0x2800  }
0xb1: {  	_ =	swait.ge [sflag:s19], $0x2800  }
0xb2: {  	[sflag:s19] =	ssyncset.done $0x0  }
0xb3: {  	[sflag:s19] =	ssyncadd.s32 $0xFFFFD800  }
0xb4: {  	_ =	sfence.sel $0x180000  }
0xb5: {  	[bflag:$0x0] =	sbarrier.arrive $0xFFFF  }
0xb6: {  	_ =	strace $0x9000004A  }
0xb7: {  	s0 =	stileid.u32;
	[bflag:$0x2] =	sbarrier.arrive $0xFFFF  }
0xb8: {  	p0 =	sne.s32 s0, $0x0;
	s0 =	rddreg [dreg:$0x2]  }
0xb9: {  	s0 =	sadd.s32 @!p0 $0x100000, s0  }
0xba: {  	[sflag:s0] =	ssyncadd.tile.s32 @!p0 $0x1;
	_ =	shalt  }
.Lfunc_end2:
_tile_overlayer_lowered:
.L_overlay_start_2:
0xbb: {  	(tag) =	ssettag $0x2  }
0xbc: {  	s0 =	rddreg [dreg:$0x0];
	s2 =	stileid.u32  }
0xbd: {  	s1 =	rddreg [dreg:$0x1];
	p0 =	sne.s32 s2, $0x0  }
0xbe: {  	s3 =	rddreg [dreg:$0x2];
	[bflag:$0x3] =	sbarrier.arrive $0xFFFF;
	s2 =	simm.s32 @!p0 $0x1C03  }
0xbf: {  	[timem:s3], [sflag:s2] =	dma.local @!p0 [hbm:s0], s1  }
0xc0: {  	s0 =	simm.s32 @!p0 $0x3  }
0xc1: {  	_ =	swait.ge @!p0 [sflag:s0], s1  }
0xc2: {  	s1 =	ssub.s32 @!p0 $0x0, s1;
	[sflag:s0] =	ssyncset.done @!p0 $0x0  }
0xc3: {  	[sflag:s0] =	ssyncadd.s32 @!p0 s1  }
0xc4: {  	[bflag:$0x3] =	sbarrier.arrive $0xFFFF  }
0xc5: {  	_ =	shalt  }

// kernel: kernel.14.cloned.1.call-start
scs
__scs_entry_jumppad:
0x0: {  	(pc) =	sbr.rel $0x88, $3  }
0x1: {  	(tag) =	ssettag $0x0;
	lr =	simm.s32 $0x1  }
0x2: {  	[smem:$0x3F90] =	sst lr;
	_ =	strace $0xD0000000  }
0x3: {  	_ = 	snop  }
0x4: {  	_ = 	snop  }
0x5: {  	_ = 	snop  }
0x6: {  	_ = 	snop  }
0x7: {  	_ = 	snop  }
__scs_overlays_trampoline_lowered:
0x8: {  	[smem:$0x3F9F] =	sst s0  }
0x9: {  	[smem:$0x3FA0] =	sst s1  }
0xa: {  	[smem:$0x3FA1] =	sst s2  }
0xb: {  	[smem:$0x3FA2] =	sst s3  }
0xc: {  	[smem:$0x3FA3] =	sst s4  }
0xd: {  	[smem:$0x3FA4] =	sst s5  }
0xe: {  	[smem:$0x3FA5] =	sst s6  }
0xf: {  	[smem:$0x3FA6] =	sst s7  }
0x10: {  	[smem:$0x3FA7] =	sst s8  }
0x11: {  	[smem:$0x3FA8] =	sst s9;
	s0 =	simm.s32 @!p0 $0x0  }
0x12: {  	s1 =	sld [smem:$0x3F8E];
	s0 =	simm.s32 @p0 $0x1  }
0x13: {  	[smem:$0x3FA9] =	sst s0;
	s0 =	simm.s32 @!p1 $0x0  }
0x14: {  	s2 =	sld [smem:$0x3F8D];
	s0 =	simm.s32 @p1 $0x1  }
0x15: {  	[smem:$0x3FAA] =	sst s0;
	s0 =	simm.s32 @!p2 $0x0  }
0x16: {  	s3 =	sld [smem:$0x3FDB];
	s0 =	simm.s32 @p2 $0x1  }
0x17: {  	s4 =	simm.s32 $0x1BF5;
	[smem:$0x3FAC] =	sst s0  }
0x18: {  	s0 =	sld [smem:$0x3F8F];
	_ =	swait.ge [sflag:s4], $0x0  }
0x19: {  	s7 =	sld [smem:$0x3F90]  }
0x1a: {  	s8 =	sadd.s32 $0xFFFFE003, lr  }
0x1b: {  	s9 =	sadd.s32 $0xFFFFFEF7, lr;
	s5 =	simm.s32 $0xFFFFFFFF;
	p2 =	slt.u32 s8, $0xFFFFF086  }
0x1c: {  	p1 =	slt.u32 s9, $0xF7A;
	s5 =	simm.s32 @!p2 $0x0  }
0x1d: {  	s5 =	simm.s32 @p1 $0x1;
	p0 =	seq.s32 s7, s2  }
0x1e: {  	s7 =	smul.u32 @!p0 $0xF7A, s2;
	p2 =	seq.s32 @!p0 s5, $0x0  }
0x1f: {  	s9 =	smul.u32 $0xF7A, s1;
	s8 =	simm.s32 @!p0 $0x1BF5;
	p2 =	por !p2, p0  }
0x20: {  	[sflag:s8] =	ssyncset.s32 @!p0 $0xFFFFF086;
	s6 =	sadd.s32 @!p0 s3, s7;
	s7 =	simm.s32 @!p0 $0x108  }
0x21: {  	s3 =	sadd.s32 s3, s9;
	s6 =	sadd.s32 @!p0 $0x88, s6;
	s7 =	simm.s32 @p2 $0x1082  }
0x22: {  	[simem:s7], [sflag:s8] =	dma.local @!p0 [hbm:s6], $0xF7A  }
0x23: {  	s9 =	sor.u32 $0xD0000000, s2;
	s6 =	simm.s32 $0x108;
	_ =	swait.ge @!p0 [sflag:s8], $0x0  }
0x24: {  	s3 =	sadd.s32 $0x88, s3;
	s6 =	simm.s32 @!p1 $0x1082;
	[sflag:s4] =	ssyncset.s32 $0xFFFFF086  }
0x25: {  	[simem:s6], [sflag:s4] =	dma.local [hbm:s3], $0xF7A  }
0x26: {  	[smem:$0x3F90] =	sst s1;
	(tag) =	ssettag s2;
	_ =	strace s9  }
0x27: {  	s1 =	sld [smem:$0x3FA0]  }
0x28: {  	s2 =	sld [smem:$0x3FA1]  }
0x29: {  	s4 =	sld [smem:$0x3FA3]  }
0x2a: {  	p0 =	seq.s32 s5, $0x0;
	s5 =	sld [smem:$0x3FA4]  }
0x2b: {  	s6 =	sld [smem:$0x3FA5]  }
0x2c: {  	s7 =	sld [smem:$0x3FA6]  }
0x2d: {  	s3 =	simm.s32 $0x108;
	s8 =	sld [smem:$0x3FA7]  }
0x2e: {  	s3 =	simm.s32 @!p0 $0x1082;
	s9 =	sld [smem:$0x3FA8]  }
0x2f: {  	lr =	sadd.s32 s0, s3;
	s0 =	sld [smem:$0x3F9F]  }
0x30: {  	s3 =	sld [smem:$0x3FA2]  }
0x31: {  	[smem:$0x3FAB] =	sst s10  }
0x32: {  	s10 =	sld [smem:$0x3FA9];
	_ =	sdelay $0x3  }
0x33: {  	p0 =	seq.s32 s10, $0x1;
	s10 =	sld [smem:$0x3FAB];
	_ =	sdelay $0x3  }
0x34: {  	[smem:$0x3FAB] =	sst s10  }
0x35: {  	s10 =	sld [smem:$0x3FAA];
	_ =	sdelay $0x3  }
0x36: {  	p1 =	seq.s32 s10, $0x1;
	s10 =	sld [smem:$0x3FAB];
	_ =	sdelay $0x3  }
0x37: {  	[smem:$0x3FAB] =	sst s10  }
0x38: {  	s10 =	sld [smem:$0x3FAC]  }
0x39: {  	_ = 	snop;
	(pc) =	sbr.ind lr, $3  }
0x3a: {  	_ = 	snop  }
0x3b: {  	_ = 	snop  }
0x3c: {  	p2 =	seq.s32 s10, $0x1;
	s10 =	sld [smem:$0x3FAB]  }
0x3d: {  	_ =	shalt  }
0x3e: {  	_ =	shalt  }
0x3f: {  	_ =	shalt  }
0x40: {  	_ =	shalt  }
0x41: {  	_ =	shalt  }
0x42: {  	_ =	shalt  }
0x43: {  	_ =	shalt  }
0x44: {  	_ =	shalt  }
0x45: {  	_ =	shalt  }
0x46: {  	_ =	shalt  }
0x47: {  	_ =	shalt  }
0x48: {  	_ =	shalt  }
0x49: {  	_ =	shalt  }
0x4a: {  	_ =	shalt  }
0x4b: {  	_ =	shalt  }
0x4c: {  	_ =	shalt  }
0x4d: {  	_ =	shalt  }
0x4e: {  	_ =	shalt  }
0x4f: {  	_ =	shalt  }
0x50: {  	_ =	shalt  }
0x51: {  	_ =	shalt  }
0x52: {  	_ =	shalt  }
0x53: {  	_ =	shalt  }
0x54: {  	_ =	shalt  }
0x55: {  	_ =	shalt  }
0x56: {  	_ =	shalt  }
0x57: {  	_ =	shalt  }
0x58: {  	_ =	shalt  }
0x59: {  	_ =	shalt  }
0x5a: {  	_ =	shalt  }
0x5b: {  	_ =	shalt  }
0x5c: {  	_ =	shalt  }
0x5d: {  	_ =	shalt  }
0x5e: {  	_ =	shalt  }
0x5f: {  	_ =	shalt  }
0x60: {  	_ =	shalt  }
0x61: {  	_ =	shalt  }
0x62: {  	_ =	shalt  }
0x63: {  	_ =	shalt  }
0x64: {  	_ =	shalt  }
0x65: {  	_ =	shalt  }
0x66: {  	_ =	shalt  }
0x67: {  	_ =	shalt  }
0x68: {  	_ =	shalt  }
0x69: {  	_ =	shalt  }
0x6a: {  	_ =	shalt  }
0x6b: {  	_ =	shalt  }
0x6c: {  	_ =	shalt  }
0x6d: {  	_ =	shalt  }
0x6e: {  	_ =	shalt  }
0x6f: {  	_ =	shalt  }
0x70: {  	_ =	shalt  }
0x71: {  	_ =	shalt  }
0x72: {  	_ =	shalt  }
0x73: {  	_ =	shalt  }
0x74: {  	_ =	shalt  }
0x75: {  	_ =	shalt  }
0x76: {  	_ =	shalt  }
0x77: {  	_ =	shalt  }
0x78: {  	_ =	shalt  }
0x79: {  	_ =	shalt  }
0x7a: {  	_ =	shalt  }
0x7b: {  	_ =	shalt  }
0x7c: {  	_ =	shalt  }
0x7d: {  	_ =	shalt  }
0x7e: {  	_ =	shalt  }
0x7f: {  	_ =	shalt  }
0x80: {  	_ =	shalt  }
0x81: {  	_ =	shalt  }
0x82: {  	_ =	shalt  }
0x83: {  	_ =	shalt  }
0x84: {  	_ =	shalt  }
0x85: {  	_ =	shalt  }
0x86: {  	_ =	shalt  }
0x87: {  	_ =	shalt  }
.Lfunc_end0:
.L_simem_size_0:
called_computation.2_lowered:
.L_overlay_start_0:
0x88: {  	s2 =	sld [smem:$0x3FD9]  }
0x89: {  	s3 =	sld [smem:$0x3FFE];
	_ =	sdelay $0x1  }
0x8a: {  	s1 =	srdreg.scid  }
0x8b: {  	s0 =	sand.u32 $0x1, s1  }
0x8c: {  	s16 =	sshll.u32 s0, $0xA;
	s2 =	sadd.s32 s3, s2  }
0x8d: {  	s2 =	sadd.s32 s2, s16  }
0x8e: {  	[smem:$0x3FB7] =	sst s2  }
0x8f: {  	_ = 	snop  }
0x90: {  	(tm) =	ssettm $0x1  }
0x91: {  	s17 =	sld [smem:$0x3FFB];
	_ =	sdelay $0x3  }
0x92: {  	_ =	strace s17  }
0x93: {  	s2 =	sld [smem:$0x3FFC];
	_ =	sdelay $0x3  }
0x94: {  	_ =	strace s2  }
0x95: {  	s2 =	sld [smem:$0x3FFD];
	_ =	sdelay $0x3  }
0x96: {  	_ =	strace s2  }
0x97: {  	_ =	strace $0x8FFFFFFF  }
0x98: {  	s18 =	sld [smem:$0x3FDB];
	_ =	sdelay $0x1  }
0x99: {  	s19 =	simm.s32 $_scs_section_size  }
0x9a: {  	s4 =	simm.s32 $_size__tile_overlayer_lowered;
	s5 =	simm.s32 $_tile_overlayer_lowered  }
0x9b: {  	s22 =	simm.s32 $0x1BFF;
	s21 =	sshll.u32 s5, $0x1;
	s2 =	sadd.s32 s19, s18  }
0x9c: {  	s6 =	simm.s32 $0x0;
	s20 =	sshll.u32 s4, $0x1;
	s4 =	sadd.s32 s21, s2  }
0x9d: {  	[timem:s6], [sflag:s22] =	dma.local [hbm:s4], s20  }
0x9e: {  	_ =	swait.ge [sflag:s22], s20  }
0x9f: {  	s3 =	ssub.s32 $0x0, s20;
	[sflag:s22] =	ssyncset.done $0x0  }
0xa0: {  	[sflag:s22] =	ssyncadd.s32 s3;
	_ =	sdelay $0x1  }
0xa1: {  	s23 =	simm.s32 $0x1B8B  }
0xa2: {  	_ =	swait.ge [sflag:s23], $0x1  }
0xa3: {  	[sflag:s23] =	ssyncset.done $0x0  }
0xa4: {  	s25 =	simm.s32 $0x1B8E;
	s24 =	sld [smem:$0x3FFE];
	[sflag:s23] =	ssyncadd.s32 $0xFFFFFFFF  }
0xa5: {  	s26 =	simm.s32 $execute0_lowered;
	[smem:$0x3FD2] =	sst s25  }
0xa6: {  	s4 =	sshll.u32 s26, $0x1;
	_ =	strace $0x8000004C;
	[dreg:$0x1] =	wrdreg $0xFFFFFFFF  }
0xa7: {  	s28 =	simm.s32 $_size_execute0_lowered;
	s2 =	sadd.s32 s2, s4;
	[dreg:$0x0] =	wrdreg $0x0  }
0xa8: {  	s4 =	sshll.u32 s28, $0x1;
	[dreg:$0x2] =	wrdreg s2  }
0xa9: {  	[dreg:$0x3] =	wrdreg s4  }
0xaa: {  	[dreg:$0x4] =	wrdreg $0xC0  }
0xab: {  	_ =	task [dreg:s6], $0x5FFFF  }
0xac: {  	[dreg:$0x1] =	wrdreg $0xFFFFFFFF  }
0xad: {  	[dreg:$0x0] =	wrdreg $0x60  }
0xae: {  	[dreg:$0x2] =	wrdreg s24  }
0xaf: {  	[dreg:$0x3] =	wrdreg $0x82000  }
0xb0: {  	[dreg:$0x4] =	wrdreg $0x9  }
0xb1: {  	_ =	task.clear_ibuf [dreg:s6], $0x5FFFF;
	_ =	strace $0x9000004C  }
0xb2: {  	s29 =	simm.s32 $0x9;
	_ =	strace $0x8000004E  }
0xb3: {  	_ =	swait.ge [sflag:s29], $0x1  }
0xb4: {  	[sflag:s29] =	ssyncadd.s32 $0xFFFFFFFF  }
0xb5: {  	_ =	strace $0x9000004E  }
0xb6: {  	_ =	sfence  }
0xb7: {  	s30 =	sld [smem:$0x0];
	_ =	sdelay $0x2  }
0xb8: {  	s31 =	sshll.u32 s1, $0xD;
	s1 =	sshrl.u32 s1, $0x2  }
0xb9: {  	s3 =	sand.u32 $0x4000, s31;
	s1 =	sadd.s32 s1, s30  }
0xba: {  	s0 =	sor.u32 s3, s0;
	s1 =	sshll.u32 s1, $0x11  }
0xbb: {  	s0 =	sor.u32 s1, s0  }
0xbc: {  	s0 =	sadd.s32 $0x8F2B, s0  }
0xbd: {  	[sflag:s0] =	ssyncadd.remote.s32 $0x1  }
0xbe: {  	_ =	sfence.sel $0xFFFF  }
0xbf: {  	[dreg:$0x0] =	wrdreg $0xFFFFFFFF;
	(pc) =	sbr.abs _section_cstart, $3  }
0xc0: {  	[dreg:$0x1] =	wrdreg $0xFFFFFFFF  }
0xc1: {  	_ =	task.clear_ibuf [dreg:s6], $0x2FFFF;
	_ =	strace $0x9FFFFFFF  }
0xc2: {  	(tm) =	ssettm $0x7FFFFFFF  }
0xc3: {  	_ =	shalt  }
tec
execute0_lowered:
.L_overlay_start_1:
0x0: {  	(tag) =	ssettag $0x1  }
0x1: {  	s0 =	rddreg [dreg:$0x0]  }
0x2: {  	s1 =	rddreg [dreg:$0x1];
	s2 =	srdreg.scid;
	s3 =	simm.s32 $0x0  }
0x3: {  	s13 =	stileid.u32;
	s28 =	simm.s32 $0x180;
	s29 =	simm.s32 $0x4200  }
0x4: {  	s30 =	simm.s32 $0x1;
	s31 =	simm.s32 $0x2;
	s2 =	sand.u32 $0x1, s2  }
0x5: {  	[smem:$0x7FF] =	sst s3;
	s8 =	smul.u32 $0x14000, s13;
	s4 =	sadd.s32 $0x68800, s0  }
0x6: {  	s5 =	sadd.s32 $0x3C00, s0;
	s6 =	sadd.s32 $0x7C400, s0;
	s12 =	smul.u32 $0x50000, s13  }
0x7: {  	s11 =	sshll.u32 s13, $0x1;
	s14 =	sshll.u32 s13, $0x6;
	s15 =	smul.u32 $0x9E00, s13  }
0x8: {  	s7 =	smul.u32 $0x140000, s2;
	_ =	strace $0x8000004D;
	s9 =	ssub.s32 $0x2, s2  }
0x9: {  	s25 =	sor.u32 s2, s11;
	s2 =	smul.u32 $0x4F00, s2;
	s10 =	sshrl.u32 s9, $0x1  }
0xa: {  	s26 =	smul.u32 $0x4F00, s25;
	s12 =	sshrl.u32 s12, $0x2;
	s8 =	sadd.s32 s8, s7  }
0xb: {  	s7 =	sadd.s32 $0x17800, s0;
	s9 =	ssub.s32 s9, s10;
	s18 =	sadd.s32 s12, s1  }
0xc: {  	s2 =	sadd.s32 s2, s15;
	s8 =	sshrl.u32 s8, $0x3;
	s20 =	sadd.s32 $0x4000, s18  }
0xd: {  	s21 =	sadd.s32 $0x8000, s18;
	s22 =	sadd.s32 $0xC000, s18;
	s23 =	sadd.s32 $0x10000, s18  }
0xe: {  	s10 =	sshrl.u32 s26, $0x3;
	s24 =	sor.u32 $0x80, s2;
	s15 =	sadd.s32 $0x100, s2  }
0xf: {  	s18 =	sshrl.u32 s18, $0x3;
	s0 =	sadd.s32 s8, s0;
	s8 =	sor.u32 $0x1C03, s14  }
0x10: {  	s16 =	sadd.s32 s4, s10;
	s17 =	sadd.s32 $0x9D0, s10;
	s10 =	sadd.s32 s5, s10  }
0x11: {  	s26 =	sshrl.u32 s24, $0x3;
	s14 =	smax.u32 s9, $0x1;
	s20 =	sshrl.u32 s20, $0x3  }
0x12: {  	s21 =	sshrl.u32 s21, $0x3;
	s22 =	sshrl.u32 s22, $0x3;
	[dreg:$0x3] =	wrdreg s16  }
0x13: {  	s23 =	sshrl.u32 s23, $0x3;
	[dreg:$0x4] =	wrdreg s10;
	s19 =	sadd.s32 s4, s17  }
0x14: {  	s24 =	simm.s32 $0x100;
	s25 =	sadd.s32 s5, s17;
	[dreg:$0x5] =	wrdreg s19  }
0x15: {  	s0 =	sadd.s32 $0xA3600, s0;
	s16 =	sadd.s32 s26, s5;
	[dreg:$0x6] =	wrdreg s25  }
0x16: {  	s17 =	sadd.s32 s26, s4;
	s26 =	simm.s32 $0x200;
	[dreg:$0x7] =	wrdreg s0  }
0x17: {  	s19 =	simm.s32 $0x3;
	s25 =	simm.s32 $0x80;
	s0 =	simm.s32 $0x0  }
.LBB2_1:
0x18: {  	[spmem:s18], [sflag:s8] =	dma.local [hbm:s7], $0x800  }
0x19: {  	_ =	swait.ge [sflag:s19], $0x800  }
0x1a: {  	[sflag:s19] =	ssyncset.done $0x0  }
0x1b: {  	[sflag:s19] =	ssyncadd.s32 $0xFFFFF800  }
0x1c: {  	[spmem:s20], [sflag:s8] =	dma.local [hbm:s7], $0x800  }
0x1d: {  	_ =	swait.ge [sflag:s19], $0x800  }
0x1e: {  	[sflag:s19] =	ssyncset.done $0x0  }
0x1f: {  	[sflag:s19] =	ssyncadd.s32 $0xFFFFF800  }
0x20: {  	[spmem:s21], [sflag:s8] =	dma.local [hbm:s7], $0x800  }
0x21: {  	_ =	swait.ge [sflag:s19], $0x800  }
0x22: {  	[sflag:s19] =	ssyncset.done $0x0  }
0x23: {  	[sflag:s19] =	ssyncadd.s32 $0xFFFFF800  }
0x24: {  	[spmem:s22], [sflag:s8] =	dma.local [hbm:s7], $0x800  }
0x25: {  	_ =	swait.ge [sflag:s19], $0x800  }
0x26: {  	[sflag:s19] =	ssyncset.done $0x0  }
0x27: {  	[sflag:s19] =	ssyncadd.s32 $0xFFFFF800  }
0x28: {  	[spmem:s23], [sflag:s8] =	dma.local [hbm:s7], $0x800  }
0x29: {  	_ =	swait.ge [sflag:s19], $0x800  }
0x2a: {  	[sflag:s19] =	ssyncset.done $0x0  }
0x2b: {  	s2 =	rddreg [dreg:$0x3];
	[sflag:s19] =	ssyncadd.s32 $0xFFFFF800  }
0x2c: {  	[tilespmem:s3], [sflag:$0x3] =	stream.linear.gather [hbm4b:s2+s3], $0x80, $0x38;
	[tilespmem:$0x1C200] =	vst v63  }
0x2d: {  	_ =	swait.ge [sflag:s19], $0x80  }
0x2e: {  	[sflag:s19] =	ssyncset.done $0x0  }
0x2f: {  	s10 =	rddreg [dreg:$0x4];
	[sflag:s19] =	ssyncadd.s32 $0xFFFFFF80  }
0x30: {  	[tilespmem:s24], [sflag:$0x3] =	stream.linear.gather [hbm4b:s10+s3], $0x80, $0x38;
	[tilespmem:$0x1C200] =	vst v63  }
0x31: {  	_ =	swait.ge [sflag:s19], $0x80  }
0x32: {  	[sflag:s19] =	ssyncset.done $0x0  }
0x33: {  	[sflag:s19] =	ssyncadd.s32 $0xFFFFFF80  }
0x34: {  	[tilespmem:s26], [sflag:$0x1] =	stream.indirect.gather [hbm4b:s6+s25], $0x80, s3, s25, $0xb8;
	[tilespmem:$0x1C200] =	vst v63  }
0x35: {  	s11 =	sadd.s32 $0x0, s17;
	[bflag:$0x0] =	sbarrier.arrive $0xFFFF  }
0x36: {  	[tilespmem:s25], [sflag:$0x3] =	stream.linear.gather [hbm4b:s11+s3], $0x80, $0x38;
	[tilespmem:$0x1C200] =	vst v63  }
0x37: {  	_ =	swait.ge [sflag:s19], $0x80  }
0x38: {  	[sflag:s19] =	ssyncset.done $0x0  }
0x39: {  	s12 =	sadd.s32 $0x0, s16;
	[sflag:s19] =	ssyncadd.s32 $0xFFFFFF80  }
0x3a: {  	[tilespmem:s28], [sflag:$0x3] =	stream.linear.gather [hbm4b:s12+s3], $0x80, $0x38;
	[tilespmem:$0x1C200] =	vst v63  }
0x3b: {  	_ =	swait.ge [sflag:s19], $0x80  }
0x3c: {  	[sflag:s19] =	ssyncset.done $0x0  }
0x3d: {  	[sflag:s19] =	ssyncadd.s32 $0xFFFFFF80  }
0x3e: {  	[tilespmem:s29], [sflag:$0x2] =	stream.indirect.gather [hbm4b:s6+s25], $0x80, s25, s25, $0xb8;
	[tilespmem:$0x1C200] =	vst v63  }
0x3f: {  	_ =	swait.ge [sflag:s30], $0x4000  }
0x40: {  	[sflag:s30] =	ssyncset.done $0x0  }
0x41: {  	[sflag:s30] =	ssyncadd.s32 $0xFFFFC000  }
0x42: {  	[spmem:s1] =	stream.indirect.scatter.add.f32 [tilespmem:s26], [sflag:$0x3], $0x80, s24, s25, $0xb8;
	[tilespmem:$0x1C200] =	vst v63  }
0x43: {  	_ =	swait.ge [sflag:s19], $0x4000  }
0x44: {  	s13 =	sshrl.u32 s15, $0x3;
	[sflag:s19] =	ssyncset.done $0x0  }
0x45: {  	s9 =	sadd.s32 s4, s13;
	[sflag:s19] =	ssyncadd.s32 $0xFFFFC000  }
0x46: {  	[tilespmem:s3], [sflag:$0x3] =	stream.linear.gather [hbm4b:s9+s3], $0x80, $0x38;
	[tilespmem:$0x1C200] =	vst v63  }
0x47: {  	_ =	swait.ge [sflag:s19], $0x80  }
0x48: {  	[sflag:s19] =	ssyncset.done $0x0  }
0x49: {  	s2 =	sadd.s32 s5, s13;
	[sflag:s19] =	ssyncadd.s32 $0xFFFFFF80  }
0x4a: {  	[tilespmem:s24], [sflag:$0x3] =	stream.linear.gather [hbm4b:s2+s3], $0x80, $0x38;
	[tilespmem:$0x1C200] =	vst v63  }
0x4b: {  	_ =	swait.ge [sflag:s19], $0x80  }
0x4c: {  	[sflag:s19] =	ssyncset.done $0x0  }
0x4d: {  	[sflag:s19] =	ssyncadd.s32 $0xFFFFFF80  }
0x4e: {  	[tilespmem:s26], [sflag:$0x1] =	stream.indirect.gather [hbm4b:s6+s25], $0x80, s3, s25, $0xb8;
	[tilespmem:$0x1C200] =	vst v63  }
0x4f: {  	_ =	swait.ge [sflag:s31], $0x4000  }
0x50: {  	[sflag:s31] =	ssyncset.done $0x0  }
0x51: {  	[sflag:s31] =	ssyncadd.s32 $0xFFFFC000  }
0x52: {  	[spmem:s1] =	stream.indirect.scatter.add.f32 [tilespmem:s29], [sflag:$0x3], $0x80, s28, s25, $0xb8;
	[tilespmem:$0x1C200] =	vst v63  }
0x53: {  	s10 =	simm.s32 $0x40;
	_ =	swait.ge [sflag:s19], $0x4000  }
0x54: {  	s9 =	simm.s32 $0x20;
	s2 =	sadd.s32 $0x100, s15;
	[sflag:s19] =	ssyncset.done $0x0  }
.LBB2_2:
0x55: {  	s12 =	sadd.s32 s9, s17  }
0x56: {  	[sflag:s19] =	ssyncadd.s32 $0xFFFFC000;
	s13 =	smov.u32 s10;
	s11 =	sadd.s32 $0x20, s10  }
0x57: {  	[tilespmem:s25], [sflag:$0x3] =	stream.linear.gather [hbm4b:s12+s3], $0x80, $0x38;
	[tilespmem:$0x1C200] =	vst v63  }
0x58: {  	p0 =	sne.s32 s10, $0x9A0;
	_ =	swait.ge [sflag:s19], $0x80  }
0x59: {  	[sflag:s19] =	ssyncset.done $0x0  }
0x5a: {  	s10 =	sadd.s32 s9, s16;
	s9 =	smov.u32 s13;
	[sflag:s19] =	ssyncadd.s32 $0xFFFFFF80  }
0x5b: {  	[tilespmem:s28], [sflag:$0x3] =	stream.linear.gather [hbm4b:s10+s3], $0x80, $0x38;
	[tilespmem:$0x1C200] =	vst v63  }
0x5c: {  	_ =	swait.ge [sflag:s19], $0x80  }
0x5d: {  	[sflag:s19] =	ssyncset.done $0x0  }
0x5e: {  	[sflag:s19] =	ssyncadd.s32 $0xFFFFFF80  }
0x5f: {  	[tilespmem:s29], [sflag:$0x2] =	stream.indirect.gather [hbm4b:s6+s25], $0x80, s25, s25, $0xb8;
	[tilespmem:$0x1C200] =	vst v63  }
0x60: {  	_ =	swait.ge [sflag:s30], $0x4000  }
0x61: {  	[sflag:s30] =	ssyncset.done $0x0  }
0x62: {  	[sflag:s30] =	ssyncadd.s32 $0xFFFFC000  }
0x63: {  	[spmem:s1] =	stream.indirect.scatter.add.f32 [tilespmem:s26], [sflag:$0x3], $0x80, s24, s25, $0xb8;
	[tilespmem:$0x1C200] =	vst v63  }
0x64: {  	_ =	swait.ge [sflag:s19], $0x4000  }
0x65: {  	s10 =	sshrl.u32 s2, $0x3;
	[sflag:s19] =	ssyncset.done $0x0  }
0x66: {  	s12 =	sadd.s32 s4, s10;
	[sflag:s19] =	ssyncadd.s32 $0xFFFFC000  }
0x67: {  	[tilespmem:s3], [sflag:$0x3] =	stream.linear.gather [hbm4b:s12+s3], $0x80, $0x38;
	[tilespmem:$0x1C200] =	vst v63  }
0x68: {  	_ =	swait.ge [sflag:s19], $0x80  }
0x69: {  	[sflag:s19] =	ssyncset.done $0x0  }
0x6a: {  	s10 =	sadd.s32 s5, s10;
	[sflag:s19] =	ssyncadd.s32 $0xFFFFFF80  }
0x6b: {  	[tilespmem:s24], [sflag:$0x3] =	stream.linear.gather [hbm4b:s10+s3], $0x80, $0x38;
	[tilespmem:$0x1C200] =	vst v63  }
0x6c: {  	_ =	swait.ge [sflag:s19], $0x80  }
0x6d: {  	[sflag:s19] =	ssyncset.done $0x0  }
0x6e: {  	[sflag:s19] =	ssyncadd.s32 $0xFFFFFF80  }
0x6f: {  	[tilespmem:s26], [sflag:$0x1] =	stream.indirect.gather [hbm4b:s6+s25], $0x80, s3, s25, $0xb8;
	[tilespmem:$0x1C200] =	vst v63  }
0x70: {  	_ =	swait.ge [sflag:s31], $0x4000  }
.Ltmp0:
0x71: {  	[sflag:s31] =	ssyncset.done $0x0;
	(pc) =	sbr.rel @p0 .LBB2_2-.Ltmp0, $4  }
0x72: {  	[sflag:s31] =	ssyncadd.s32 $0xFFFFC000  }
0x73: {  	[spmem:s1] =	stream.indirect.scatter.add.f32 [tilespmem:s29], [sflag:$0x3], $0x80, s28, s25, $0xb8;
	[tilespmem:$0x1C200] =	vst v63  }
0x74: {  	_ =	swait.ge [sflag:s19], $0x4000  }
0x75: {  	s2 =	sadd.s32 $0x100, s2;
	s10 =	smov.u32 s11;
	[sflag:s19] =	ssyncset.done $0x0  }
0x76: {  	s10 =	sadd.s32 s9, s17;
	[sflag:s19] =	ssyncadd.s32 $0xFFFFC000  }
0x77: {  	[tilespmem:s25], [sflag:$0x3] =	stream.linear.gather [hbm4b:s10+s3], $0x80, $0x38;
	[tilespmem:$0x1C200] =	vst v63  }
0x78: {  	_ =	swait.ge [sflag:s19], $0x80  }
0x79: {  	[sflag:s19] =	ssyncset.done $0x0  }
0x7a: {  	s13 =	sadd.s32 s9, s16;
	[sflag:s19] =	ssyncadd.s32 $0xFFFFFF80  }
0x7b: {  	[tilespmem:s28], [sflag:$0x3] =	stream.linear.gather [hbm4b:s13+s3], $0x80, $0x38;
	[tilespmem:$0x1C200] =	vst v63  }
0x7c: {  	_ =	swait.ge [sflag:s19], $0x80  }
0x7d: {  	[sflag:s19] =	ssyncset.done $0x0  }
0x7e: {  	[sflag:s19] =	ssyncadd.s32 $0xFFFFFF80  }
0x7f: {  	[tilespmem:s29], [sflag:$0x2] =	stream.indirect.gather [hbm4b:s6+s25], $0x80, s25, s25, $0xb8;
	[tilespmem:$0x1C200] =	vst v63  }
0x80: {  	_ =	swait.ge [sflag:s30], $0x4000  }
0x81: {  	[sflag:s30] =	ssyncset.done $0x0  }
0x82: {  	[sflag:s30] =	ssyncadd.s32 $0xFFFFC000  }
0x83: {  	[spmem:s1] =	stream.indirect.scatter.add.f32 [tilespmem:s26], [sflag:$0x3], $0x80, s24, s25, $0xb8;
	[tilespmem:$0x1C200] =	vst v63  }
0x84: {  	_ =	swait.ge [sflag:s19], $0x4000  }
0x85: {  	s2 =	sshrl.u32 s2, $0x3;
	[sflag:s19] =	ssyncset.done $0x0  }
0x86: {  	s10 =	sadd.s32 s4, s2;
	[sflag:s19] =	ssyncadd.s32 $0xFFFFC000  }
0x87: {  	[tilespmem:s3], [sflag:$0x3] =	stream.linear.gather [hbm4b:s10+s3], $0x80, $0x38;
	[tilespmem:$0x1C200] =	vst v63  }
0x88: {  	_ =	swait.ge [sflag:s19], $0x80  }
0x89: {  	[sflag:s19] =	ssyncset.done $0x0  }
0x8a: {  	s2 =	sadd.s32 s5, s2;
	[sflag:s19] =	ssyncadd.s32 $0xFFFFFF80  }
0x8b: {  	[tilespmem:s24], [sflag:$0x3] =	stream.linear.gather [hbm4b:s2+s3], $0x80, $0x38;
	[tilespmem:$0x1C200] =	vst v63  }
0x8c: {  	_ =	swait.ge [sflag:s19], $0x80  }
0x8d: {  	[sflag:s19] =	ssyncset.done $0x0  }
0x8e: {  	[sflag:s19] =	ssyncadd.s32 $0xFFFFFF80  }
0x8f: {  	[tilespmem:s26], [sflag:$0x1] =	stream.indirect.gather [hbm4b:s6+s25], $0x80, s3, s25, $0xb8;
	[tilespmem:$0x1C200] =	vst v63  }
0x90: {  	_ =	swait.ge [sflag:s31], $0x4000  }
0x91: {  	[sflag:s31] =	ssyncset.done $0x0  }
0x92: {  	[sflag:s31] =	ssyncadd.s32 $0xFFFFC000  }
0x93: {  	[spmem:s1] =	stream.indirect.scatter.add.f32 [tilespmem:s29], [sflag:$0x3], $0x80, s28, s25, $0xb8;
	[tilespmem:$0x1C200] =	vst v63  }
0x94: {  	_ =	swait.ge [sflag:s19], $0x4000  }
0x95: {  	[sflag:s19] =	ssyncset.done $0x0  }
0x96: {  	s11 =	rddreg [dreg:$0x5];
	[sflag:s19] =	ssyncadd.s32 $0xFFFFC000  }
0x97: {  	[tilespmem:s25], [sflag:$0x3] =	stream.linear.gather [hbm4b:s11+s3], $0x80, $0x38;
	[tilespmem:$0x1C200] =	vst v63  }
0x98: {  	_ =	swait.ge [sflag:s19], $0x80  }
0x99: {  	[sflag:s19] =	ssyncset.done $0x0  }
0x9a: {  	s12 =	rddreg [dreg:$0x6];
	[sflag:s19] =	ssyncadd.s32 $0xFFFFFF80  }
0x9b: {  	[tilespmem:s28], [sflag:$0x3] =	stream.linear.gather [hbm4b:s12+s3], $0x80, $0x38;
	[tilespmem:$0x1C200] =	vst v63  }
0x9c: {  	_ =	swait.ge [sflag:s19], $0x80  }
0x9d: {  	[sflag:s19] =	ssyncset.done $0x0  }
0x9e: {  	[sflag:s19] =	ssyncadd.s32 $0xFFFFFF80  }
0x9f: {  	[tilespmem:s29], [sflag:$0x2] =	stream.indirect.gather [hbm4b:s6+s25], $0x80, s25, s25, $0xb8;
	[tilespmem:$0x1C200] =	vst v63  }
0xa0: {  	_ =	swait.ge [sflag:s30], $0x4000  }
0xa1: {  	[sflag:s30] =	ssyncset.done $0x0  }
0xa2: {  	[sflag:s30] =	ssyncadd.s32 $0xFFFFC000  }
0xa3: {  	[spmem:s1] =	stream.indirect.scatter.add.f32 [tilespmem:s26], [sflag:$0x3], $0x80, s24, s25, $0xb8;
	[tilespmem:$0x1C200] =	vst v63  }
0xa4: {  	_ =	swait.ge [sflag:s19], $0x4000  }
0xa5: {  	[sflag:s19] =	ssyncset.done $0x0  }
0xa6: {  	[sflag:s19] =	ssyncadd.s32 $0xFFFFC000  }
0xa7: {  	_ =	swait.ge [sflag:s31], $0x4000  }
0xa8: {  	[sflag:s31] =	ssyncset.done $0x0  }
0xa9: {  	[sflag:s31] =	ssyncadd.s32 $0xFFFFC000  }
0xaa: {  	[spmem:s1] =	stream.indirect.scatter.add.f32 [tilespmem:s29], [sflag:$0x3], $0x80, s28, s25, $0xb8;
	[tilespmem:$0x1C200] =	vst v63  }
0xab: {  	_ =	swait.ge [sflag:s19], $0x4000  }
0xac: {  	[sflag:s19] =	ssyncset.done $0x0  }
0xad: {  	s0 =	sadd.s32 $0x1, s0;
	[sflag:s19] =	ssyncadd.s32 $0xFFFFC000  }
0xae: {  	p0 =	sne.s32 s0, s14;
	[bflag:$0x0] =	sbarrier.arrive $0xFFFF  }
.Ltmp1:
0xaf: {  	s13 =	rddreg [dreg:$0x7];
	(pc) =	sbr.rel @p0 .LBB2_1-.Ltmp1, $4  }
0xb0: {  	[hbm:s13], [sflag:s8] =	dma.local [spmem:s18], $0x2800  }
0xb1: {  	_ =	swait.ge [sflag:s19], $0x2800  }
0xb2: {  	[sflag:s19] =	ssyncset.done $0x0  }
0xb3: {  	[sflag:s19] =	ssyncadd.s32 $0xFFFFD800  }
0xb4: {  	_ =	sfence.sel $0x180000  }
0xb5: {  	[bflag:$0x0] =	sbarrier.arrive $0xFFFF  }
0xb6: {  	_ =	strace $0x9000004D  }
0xb7: {  	s0 =	stileid.u32;
	[bflag:$0x2] =	sbarrier.arrive $0xFFFF  }
0xb8: {  	p0 =	sne.s32 s0, $0x0;
	s0 =	rddreg [dreg:$0x2]  }
0xb9: {  	s0 =	sadd.s32 @!p0 $0x100000, s0  }
0xba: {  	[sflag:s0] =	ssyncadd.tile.s32 @!p0 $0x1;
	_ =	shalt  }
.Lfunc_end2:
_tile_overlayer_lowered:
.L_overlay_start_2:
0xbb: {  	(tag) =	ssettag $0x2  }
0xbc: {  	s0 =	rddreg [dreg:$0x0];
	s2 =	stileid.u32  }
0xbd: {  	s1 =	rddreg [dreg:$0x1];
	p0 =	sne.s32 s2, $0x0  }
0xbe: {  	s3 =	rddreg [dreg:$0x2];
	[bflag:$0x3] =	sbarrier.arrive $0xFFFF;
	s2 =	simm.s32 @!p0 $0x1C03  }
0xbf: {  	[timem:s3], [sflag:s2] =	dma.local @!p0 [hbm:s0], s1  }
0xc0: {  	s0 =	simm.s32 @!p0 $0x3  }
0xc1: {  	_ =	swait.ge @!p0 [sflag:s0], s1  }
0xc2: {  	s1 =	ssub.s32 @!p0 $0x0, s1;
	[sflag:s0] =	ssyncset.done @!p0 $0x0  }
0xc3: {  	[sflag:s0] =	ssyncadd.s32 @!p0 s1  }
0xc4: {  	[bflag:$0x3] =	sbarrier.arrive $0xFFFF  }
0xc5: {  	_ =	shalt  }

// kernel: kernel.8.cloned.1.call-start
scs
__scs_entry_jumppad:
0x0: {  	(pc) =	sbr.rel $0x88, $3  }
0x1: {  	(tag) =	ssettag $0x0;
	lr =	simm.s32 $0x1  }
0x2: {  	[smem:$0x3F90] =	sst lr;
	_ =	strace $0xD0000000  }
0x3: {  	_ = 	snop  }
0x4: {  	_ = 	snop  }
0x5: {  	_ = 	snop  }
0x6: {  	_ = 	snop  }
0x7: {  	_ = 	snop  }
__scs_overlays_trampoline_lowered:
0x8: {  	[smem:$0x3F9F] =	sst s0  }
0x9: {  	[smem:$0x3FA0] =	sst s1  }
0xa: {  	[smem:$0x3FA1] =	sst s2  }
0xb: {  	[smem:$0x3FA2] =	sst s3  }
0xc: {  	[smem:$0x3FA3] =	sst s4  }
0xd: {  	[smem:$0x3FA4] =	sst s5  }
0xe: {  	[smem:$0x3FA5] =	sst s6  }
0xf: {  	[smem:$0x3FA6] =	sst s7  }
0x10: {  	[smem:$0x3FA7] =	sst s8  }
0x11: {  	[smem:$0x3FA8] =	sst s9;
	s0 =	simm.s32 @!p0 $0x0  }
0x12: {  	s1 =	sld [smem:$0x3F8E];
	s0 =	simm.s32 @p0 $0x1  }
0x13: {  	[smem:$0x3FA9] =	sst s0;
	s0 =	simm.s32 @!p1 $0x0  }
0x14: {  	s2 =	sld [smem:$0x3F8D];
	s0 =	simm.s32 @p1 $0x1  }
0x15: {  	[smem:$0x3FAA] =	sst s0;
	s0 =	simm.s32 @!p2 $0x0  }
0x16: {  	s3 =	sld [smem:$0x3FDB];
	s0 =	simm.s32 @p2 $0x1  }
0x17: {  	s4 =	simm.s32 $0x1BF5;
	[smem:$0x3FAC] =	sst s0  }
0x18: {  	s0 =	sld [smem:$0x3F8F];
	_ =	swait.ge [sflag:s4], $0x0  }
0x19: {  	s7 =	sld [smem:$0x3F90]  }
0x1a: {  	s8 =	sadd.s32 $0xFFFFE003, lr  }
0x1b: {  	s9 =	sadd.s32 $0xFFFFFEF7, lr;
	s5 =	simm.s32 $0xFFFFFFFF;
	p2 =	slt.u32 s8, $0xFFFFF086  }
0x1c: {  	p1 =	slt.u32 s9, $0xF7A;
	s5 =	simm.s32 @!p2 $0x0  }
0x1d: {  	s5 =	simm.s32 @p1 $0x1;
	p0 =	seq.s32 s7, s2  }
0x1e: {  	s7 =	smul.u32 @!p0 $0xF7A, s2;
	p2 =	seq.s32 @!p0 s5, $0x0  }
0x1f: {  	s9 =	smul.u32 $0xF7A, s1;
	s8 =	simm.s32 @!p0 $0x1BF5;
	p2 =	por !p2, p0  }
0x20: {  	[sflag:s8] =	ssyncset.s32 @!p0 $0xFFFFF086;
	s6 =	sadd.s32 @!p0 s3, s7;
	s7 =	simm.s32 @!p0 $0x108  }
0x21: {  	s3 =	sadd.s32 s3, s9;
	s6 =	sadd.s32 @!p0 $0x88, s6;
	s7 =	simm.s32 @p2 $0x1082  }
0x22: {  	[simem:s7], [sflag:s8] =	dma.local @!p0 [hbm:s6], $0xF7A  }
0x23: {  	s9 =	sor.u32 $0xD0000000, s2;
	s6 =	simm.s32 $0x108;
	_ =	swait.ge @!p0 [sflag:s8], $0x0  }
0x24: {  	s3 =	sadd.s32 $0x88, s3;
	s6 =	simm.s32 @!p1 $0x1082;
	[sflag:s4] =	ssyncset.s32 $0xFFFFF086  }
0x25: {  	[simem:s6], [sflag:s4] =	dma.local [hbm:s3], $0xF7A  }
0x26: {  	[smem:$0x3F90] =	sst s1;
	(tag) =	ssettag s2;
	_ =	strace s9  }
0x27: {  	s1 =	sld [smem:$0x3FA0]  }
0x28: {  	s2 =	sld [smem:$0x3FA1]  }
0x29: {  	s4 =	sld [smem:$0x3FA3]  }
0x2a: {  	p0 =	seq.s32 s5, $0x0;
	s5 =	sld [smem:$0x3FA4]  }
0x2b: {  	s6 =	sld [smem:$0x3FA5]  }
0x2c: {  	s7 =	sld [smem:$0x3FA6]  }
0x2d: {  	s3 =	simm.s32 $0x108;
	s8 =	sld [smem:$0x3FA7]  }
0x2e: {  	s3 =	simm.s32 @!p0 $0x1082;
	s9 =	sld [smem:$0x3FA8]  }
0x2f: {  	lr =	sadd.s32 s0, s3;
	s0 =	sld [smem:$0x3F9F]  }
0x30: {  	s3 =	sld [smem:$0x3FA2]  }
0x31: {  	[smem:$0x3FAB] =	sst s10  }
0x32: {  	s10 =	sld [smem:$0x3FA9];
	_ =	sdelay $0x3  }
0x33: {  	p0 =	seq.s32 s10, $0x1;
	s10 =	sld [smem:$0x3FAB];
	_ =	sdelay $0x3  }
0x34: {  	[smem:$0x3FAB] =	sst s10  }
0x35: {  	s10 =	sld [smem:$0x3FAA];
	_ =	sdelay $0x3  }
0x36: {  	p1 =	seq.s32 s10, $0x1;
	s10 =	sld [smem:$0x3FAB];
	_ =	sdelay $0x3  }
0x37: {  	[smem:$0x3FAB] =	sst s10  }
0x38: {  	s10 =	sld [smem:$0x3FAC]  }
0x39: {  	_ = 	snop;
	(pc) =	sbr.ind lr, $3  }
0x3a: {  	_ = 	snop  }
0x3b: {  	_ = 	snop  }
0x3c: {  	p2 =	seq.s32 s10, $0x1;
	s10 =	sld [smem:$0x3FAB]  }
0x3d: {  	_ =	shalt  }
0x3e: {  	_ =	shalt  }
0x3f: {  	_ =	shalt  }
0x40: {  	_ =	shalt  }
0x41: {  	_ =	shalt  }
0x42: {  	_ =	shalt  }
0x43: {  	_ =	shalt  }
0x44: {  	_ =	shalt  }
0x45: {  	_ =	shalt  }
0x46: {  	_ =	shalt  }
0x47: {  	_ =	shalt  }
0x48: {  	_ =	shalt  }
0x49: {  	_ =	shalt  }
0x4a: {  	_ =	shalt  }
0x4b: {  	_ =	shalt  }
0x4c: {  	_ =	shalt  }
0x4d: {  	_ =	shalt  }
0x4e: {  	_ =	shalt  }
0x4f: {  	_ =	shalt  }
0x50: {  	_ =	shalt  }
0x51: {  	_ =	shalt  }
0x52: {  	_ =	shalt  }
0x53: {  	_ =	shalt  }
0x54: {  	_ =	shalt  }
0x55: {  	_ =	shalt  }
0x56: {  	_ =	shalt  }
0x57: {  	_ =	shalt  }
0x58: {  	_ =	shalt  }
0x59: {  	_ =	shalt  }
0x5a: {  	_ =	shalt  }
0x5b: {  	_ =	shalt  }
0x5c: {  	_ =	shalt  }
0x5d: {  	_ =	shalt  }
0x5e: {  	_ =	shalt  }
0x5f: {  	_ =	shalt  }
0x60: {  	_ =	shalt  }
0x61: {  	_ =	shalt  }
0x62: {  	_ =	shalt  }
0x63: {  	_ =	shalt  }
0x64: {  	_ =	shalt  }
0x65: {  	_ =	shalt  }
0x66: {  	_ =	shalt  }
0x67: {  	_ =	shalt  }
0x68: {  	_ =	shalt  }
0x69: {  	_ =	shalt  }
0x6a: {  	_ =	shalt  }
0x6b: {  	_ =	shalt  }
0x6c: {  	_ =	shalt  }
0x6d: {  	_ =	shalt  }
0x6e: {  	_ =	shalt  }
0x6f: {  	_ =	shalt  }
0x70: {  	_ =	shalt  }
0x71: {  	_ =	shalt  }
0x72: {  	_ =	shalt  }
0x73: {  	_ =	shalt  }
0x74: {  	_ =	shalt  }
0x75: {  	_ =	shalt  }
0x76: {  	_ =	shalt  }
0x77: {  	_ =	shalt  }
0x78: {  	_ =	shalt  }
0x79: {  	_ =	shalt  }
0x7a: {  	_ =	shalt  }
0x7b: {  	_ =	shalt  }
0x7c: {  	_ =	shalt  }
0x7d: {  	_ =	shalt  }
0x7e: {  	_ =	shalt  }
0x7f: {  	_ =	shalt  }
0x80: {  	_ =	shalt  }
0x81: {  	_ =	shalt  }
0x82: {  	_ =	shalt  }
0x83: {  	_ =	shalt  }
0x84: {  	_ =	shalt  }
0x85: {  	_ =	shalt  }
0x86: {  	_ =	shalt  }
0x87: {  	_ =	shalt  }
.Lfunc_end0:
.L_simem_size_0:
called_computation_lowered:
.L_overlay_start_0:
0x88: {  	s2 =	sld [smem:$0x3FD9]  }
0x89: {  	s3 =	sld [smem:$0x3FFE];
	_ =	sdelay $0x1  }
0x8a: {  	s1 =	srdreg.scid  }
0x8b: {  	s0 =	sand.u32 $0x1, s1  }
0x8c: {  	s16 =	sshll.u32 s0, $0xA;
	s2 =	sadd.s32 s3, s2  }
0x8d: {  	s2 =	sadd.s32 s2, s16  }
0x8e: {  	[smem:$0x3FB7] =	sst s2  }
0x8f: {  	_ = 	snop  }
0x90: {  	(tm) =	ssettm $0x1  }
0x91: {  	s17 =	sld [smem:$0x3FFB];
	_ =	sdelay $0x3  }
0x92: {  	_ =	strace s17  }
0x93: {  	s2 =	sld [smem:$0x3FFC];
	_ =	sdelay $0x3  }
0x94: {  	_ =	strace s2  }
0x95: {  	s2 =	sld [smem:$0x3FFD];
	_ =	sdelay $0x3  }
0x96: {  	_ =	strace s2  }
0x97: {  	_ =	strace $0x8FFFFFFF  }
0x98: {  	s18 =	sld [smem:$0x3FDB];
	_ =	sdelay $0x1  }
0x99: {  	s19 =	simm.s32 $_scs_section_size  }
0x9a: {  	s4 =	simm.s32 $_size__tile_overlayer_lowered;
	s5 =	simm.s32 $_tile_overlayer_lowered  }
0x9b: {  	s22 =	simm.s32 $0x1BFF;
	s21 =	sshll.u32 s5, $0x1;
	s2 =	sadd.s32 s19, s18  }
0x9c: {  	s6 =	simm.s32 $0x0;
	s20 =	sshll.u32 s4, $0x1;
	s4 =	sadd.s32 s21, s2  }
0x9d: {  	[timem:s6], [sflag:s22] =	dma.local [hbm:s4], s20  }
0x9e: {  	_ =	swait.ge [sflag:s22], s20  }
0x9f: {  	s3 =	ssub.s32 $0x0, s20;
	[sflag:s22] =	ssyncset.done $0x0  }
0xa0: {  	[sflag:s22] =	ssyncadd.s32 s3;
	_ =	sdelay $0x1  }
0xa1: {  	s23 =	simm.s32 $0x1B8B  }
0xa2: {  	_ =	swait.ge [sflag:s23], $0x1  }
0xa3: {  	[sflag:s23] =	ssyncset.done $0x0  }
0xa4: {  	s25 =	simm.s32 $0x1B8E;
	s24 =	sld [smem:$0x3FFE];
	[sflag:s23] =	ssyncadd.s32 $0xFFFFFFFF  }
0xa5: {  	s26 =	simm.s32 $execute0_lowered;
	[smem:$0x3FD2] =	sst s25  }
0xa6: {  	s4 =	sshll.u32 s26, $0x1;
	_ =	strace $0x80000046;
	[dreg:$0x1] =	wrdreg $0xFFFFFFFF  }
0xa7: {  	s28 =	simm.s32 $_size_execute0_lowered;
	s2 =	sadd.s32 s2, s4;
	[dreg:$0x0] =	wrdreg $0x0  }
0xa8: {  	s4 =	sshll.u32 s28, $0x1;
	[dreg:$0x2] =	wrdreg s2  }
0xa9: {  	[dreg:$0x3] =	wrdreg s4  }
0xaa: {  	[dreg:$0x4] =	wrdreg $0xC0  }
0xab: {  	_ =	task [dreg:s6], $0x5FFFF  }
0xac: {  	[dreg:$0x1] =	wrdreg $0xFFFFFFFF  }
0xad: {  	[dreg:$0x0] =	wrdreg $0x60  }
0xae: {  	[dreg:$0x2] =	wrdreg s24  }
0xaf: {  	[dreg:$0x3] =	wrdreg $0x40800  }
0xb0: {  	[dreg:$0x4] =	wrdreg $0x9  }
0xb1: {  	_ =	task.clear_ibuf [dreg:s6], $0x5FFFF;
	_ =	strace $0x90000046  }
0xb2: {  	s29 =	simm.s32 $0x9;
	_ =	strace $0x80000048  }
0xb3: {  	_ =	swait.ge [sflag:s29], $0x1  }
0xb4: {  	[sflag:s29] =	ssyncadd.s32 $0xFFFFFFFF  }
0xb5: {  	_ =	strace $0x90000048  }
0xb6: {  	_ =	sfence  }
0xb7: {  	s30 =	sld [smem:$0x0];
	_ =	sdelay $0x2  }
0xb8: {  	s31 =	sshll.u32 s1, $0xD;
	s1 =	sshrl.u32 s1, $0x2  }
0xb9: {  	s3 =	sand.u32 $0x4000, s31;
	s1 =	sadd.s32 s1, s30  }
0xba: {  	s0 =	sor.u32 s3, s0;
	s1 =	sshll.u32 s1, $0x11  }
0xbb: {  	s0 =	sor.u32 s1, s0  }
0xbc: {  	s0 =	sadd.s32 $0x8F2B, s0  }
0xbd: {  	[sflag:s0] =	ssyncadd.remote.s32 $0x1  }
0xbe: {  	_ =	sfence.sel $0xFFFF  }
0xbf: {  	[dreg:$0x0] =	wrdreg $0xFFFFFFFF;
	(pc) =	sbr.abs _section_cstart, $3  }
0xc0: {  	[dreg:$0x1] =	wrdreg $0xFFFFFFFF  }
0xc1: {  	_ =	task.clear_ibuf [dreg:s6], $0x2FFFF;
	_ =	strace $0x9FFFFFFF  }
0xc2: {  	(tm) =	ssettm $0x7FFFFFFF  }
0xc3: {  	_ =	shalt  }
tec
execute0_lowered:
.L_overlay_start_1:
0x0: {  	(tag) =	ssettag $0x1  }
0x1: {  	s6 =	rddreg [dreg:$0x0];
	s0 =	stileid.u32  }
0x2: {  	s1 =	srdreg.scid;
	s2 =	rddreg [dreg:$0x1]  }
0x3: {  	s3 =	simm.s32 $0x0;
	s17 =	simm.s32 $0x0;
	s4 =	smul.u32 $0x13C0, s0  }
0x4: {  	s7 =	sand.u32 $0x1, s1;
	s1 =	rddreg [dreg:$0x2];
	s8 =	smul.u32 $0x14000, s0  }
0x5: {  	[smem:$0x7FF] =	sst s3;
	s10 =	smul.u32 $0x50000, s0;
	s31 =	sshll.u32 s0, $0x6  }
0x6: {  	s5 =	smul.u32 $0x140000, s7;
	_ =	strace $0x80000047;
	s11 =	ssub.s32 $0x2, s7  }
0x7: {  	s13 =	smul.u32 $0x9E0, s7;
	s9 =	sadd.s32 s4, s6;
	s4 =	sadd.s32 $0x18000, s6  }
0x8: {  	s30 =	sshrl.u32 s11, $0x1;
	s10 =	sshrl.u32 s10, $0x2;
	s8 =	sadd.s32 s8, s5  }
0x9: {  	s5 =	sadd.s32 $0x17800, s6;
	s11 =	ssub.s32 s11, s30;
	s10 =	sadd.s32 s10, s2  }
0xa: {  	s9 =	sadd.s32 s13, s9;
	s8 =	sshrl.u32 s8, $0x3;
	s12 =	sadd.s32 $0x4000, s10  }
0xb: {  	s14 =	sadd.s32 $0x8000, s10;
	s15 =	sadd.s32 $0xC000, s10;
	s16 =	sadd.s32 $0x10000, s10  }
0xc: {  	s9 =	sadd.s32 $0x3C00, s9;
	s10 =	sshrl.u32 s10, $0x3;
	s8 =	sadd.s32 s8, s6  }
0xd: {  	s6 =	sor.u32 $0x1C01, s31;
	s12 =	sshrl.u32 s12, $0x3;
	s13 =	sshrl.u32 s14, $0x3  }
0xe: {  	s14 =	sshrl.u32 s15, $0x3;
	s15 =	sshrl.u32 s16, $0x3;
	s16 =	simm.s32 $0x80  }
0xf: {  	s7 =	sadd.s32 $0x18800, s8;
	s8 =	smax.u32 s11, $0x1;
	s11 =	simm.s32 $0x1  }
.LBB2_1:
0x10: {  	[spmem:s10], [sflag:s6] =	dma.local [hbm:s5], $0x800  }
0x11: {  	_ =	swait.ge [sflag:s11], $0x800  }
0x12: {  	[sflag:s11] =	ssyncset.done $0x0  }
0x13: {  	[sflag:s11] =	ssyncadd.s32 $0xFFFFF800  }
0x14: {  	[spmem:s12], [sflag:s6] =	dma.local [hbm:s5], $0x800  }
0x15: {  	_ =	swait.ge [sflag:s11], $0x800  }
0x16: {  	[sflag:s11] =	ssyncset.done $0x0  }
0x17: {  	[sflag:s11] =	ssyncadd.s32 $0xFFFFF800  }
0x18: {  	[spmem:s13], [sflag:s6] =	dma.local [hbm:s5], $0x800  }
0x19: {  	_ =	swait.ge [sflag:s11], $0x800  }
0x1a: {  	[sflag:s11] =	ssyncset.done $0x0  }
0x1b: {  	[sflag:s11] =	ssyncadd.s32 $0xFFFFF800  }
0x1c: {  	[spmem:s14], [sflag:s6] =	dma.local [hbm:s5], $0x800  }
0x1d: {  	_ =	swait.ge [sflag:s11], $0x800  }
0x1e: {  	[sflag:s11] =	ssyncset.done $0x0  }
0x1f: {  	[sflag:s11] =	ssyncadd.s32 $0xFFFFF800  }
0x20: {  	[spmem:s15], [sflag:s6] =	dma.local [hbm:s5], $0x800  }
0x21: {  	_ =	swait.ge [sflag:s11], $0x800  }
0x22: {  	[sflag:s11] =	ssyncset.done $0x0  }
0x23: {  	[sflag:s11] =	ssyncadd.s32 $0xFFFFF800  }
0x24: {  	[tilespmem:s16], [sflag:$0x1] =	stream.linear.gather [hbm4b:s4+s3], $0x4000, $0x38;
	[tilespmem:$0x18080] =	vst v63  }
0x25: {  	_ =	swait.ge [sflag:s11], $0x4000  }
0x26: {  	[sflag:s11] =	ssyncset.done $0x0  }
0x27: {  	[sflag:s11] =	ssyncadd.s32 $0xFFFFC000  }
0x28: {  	s18 =	sadd.s32 $0x0, s9;
	[bflag:$0x0] =	sbarrier.arrive $0xFFFF  }
0x29: {  	[tilespmem:s3], [sflag:$0x1] =	stream.linear.gather [hbm4b:s18+s3], $0x80, $0x38;
	[tilespmem:$0x18080] =	vst v63  }
0x2a: {  	_ =	swait.ge [sflag:s11], $0x80  }
0x2b: {  	[sflag:s11] =	ssyncset.done $0x0  }
0x2c: {  	[sflag:s11] =	ssyncadd.s32 $0xFFFFFF80  }
0x2d: {  	[spmem:s2] =	stream.indirect.scatter.add.f32 [tilespmem:s16], [sflag:$0x1], $0x80, s3, s16, $0xb8;
	[tilespmem:$0x18080] =	vst v63  }
0x2e: {  	_ =	swait.ge [sflag:s11], $0x4000  }
0x2f: {  	s19 =	simm.s32 $0x20;
	s18 =	simm.s32 $0x10;
	[sflag:s11] =	ssyncset.done $0x0  }
.LBB2_2:
0x30: {  	s20 =	sadd.s32 s18, s9  }
0x31: {  	[sflag:s11] =	ssyncadd.s32 $0xFFFFC000;
	s18 =	smov.u32 s19;
	s21 =	sadd.s32 $0x10, s19  }
0x32: {  	[tilespmem:s3], [sflag:$0x1] =	stream.linear.gather [hbm4b:s20+s3], $0x80, $0x38;
	[tilespmem:$0x18080] =	vst v63  }
0x33: {  	p0 =	sne.s32 s19, $0x9D0;
	_ =	swait.ge [sflag:s11], $0x80  }
.Ltmp0:
0x34: {  	[sflag:s11] =	ssyncset.done $0x0;
	(pc) =	sbr.rel @p0 .LBB2_2-.Ltmp0, $4  }
0x35: {  	[sflag:s11] =	ssyncadd.s32 $0xFFFFFF80  }
0x36: {  	[spmem:s2] =	stream.indirect.scatter.add.f32 [tilespmem:s16], [sflag:$0x1], $0x80, s3, s16, $0xb8;
	[tilespmem:$0x18080] =	vst v63  }
0x37: {  	_ =	swait.ge [sflag:s11], $0x4000  }
0x38: {  	s19 =	smov.u32 s21;
	[sflag:s11] =	ssyncset.done $0x0  }
0x39: {  	s18 =	sadd.s32 s18, s9;
	[sflag:s11] =	ssyncadd.s32 $0xFFFFC000  }
0x3a: {  	[tilespmem:s3], [sflag:$0x1] =	stream.linear.gather [hbm4b:s18+s3], $0x80, $0x38;
	[tilespmem:$0x18080] =	vst v63  }
0x3b: {  	_ =	swait.ge [sflag:s11], $0x80  }
0x3c: {  	[sflag:s11] =	ssyncset.done $0x0  }
0x3d: {  	[sflag:s11] =	ssyncadd.s32 $0xFFFFFF80  }
0x3e: {  	[spmem:s2] =	stream.indirect.scatter.add.f32 [tilespmem:s16], [sflag:$0x1], $0x80, s3, s16, $0xb8;
	[tilespmem:$0x18080] =	vst v63  }
0x3f: {  	_ =	swait.ge [sflag:s11], $0x4000  }
0x40: {  	s17 =	sadd.s32 $0x1, s17;
	[sflag:s11] =	ssyncset.done $0x0  }
0x41: {  	p0 =	sne.s32 s17, s8;
	[sflag:s11] =	ssyncadd.s32 $0xFFFFC000  }
.Ltmp1:
0x42: {  	[bflag:$0x0] =	sbarrier.arrive $0xFFFF;
	(pc) =	sbr.rel @p0 .LBB2_1-.Ltmp1, $4  }
0x43: {  	[hbm:s7], [sflag:s6] =	dma.local [spmem:s10], $0x2800  }
0x44: {  	_ =	swait.ge [sflag:s11], $0x2800  }
0x45: {  	[sflag:s11] =	ssyncset.done $0x0  }
0x46: {  	[sflag:s11] =	ssyncadd.s32 $0xFFFFD800  }
0x47: {  	_ =	sfence.sel $0x180000  }
0x48: {  	[bflag:$0x0] =	sbarrier.arrive $0xFFFF  }
0x49: {  	p0 =	sne.s32 s0, $0x0;
	_ =	strace $0x90000047  }
0x4a: {  	s0 =	sadd.s32 @!p0 $0x100000, s1;
	[bflag:$0x2] =	sbarrier.arrive $0xFFFF  }
0x4b: {  	[sflag:s0] =	ssyncadd.tile.s32 @!p0 $0x1;
	_ =	shalt  }
.Lfunc_end2:
_tile_overlayer_lowered:
.L_overlay_start_2:
0x4c: {  	(tag) =	ssettag $0x2  }
0x4d: {  	s0 =	rddreg [dreg:$0x0];
	s2 =	stileid.u32  }
0x4e: {  	s1 =	rddreg [dreg:$0x1];
	p0 =	sne.s32 s2, $0x0  }
0x4f: {  	s3 =	rddreg [dreg:$0x2];
	[bflag:$0x3] =	sbarrier.arrive $0xFFFF;
	s2 =	simm.s32 @!p0 $0x1C01  }
0x50: {  	[timem:s3], [sflag:s2] =	dma.local @!p0 [hbm:s0], s1  }
0x51: {  	s0 =	simm.s32 @!p0 $0x1  }
0x52: {  	_ =	swait.ge @!p0 [sflag:s0], s1  }
0x53: {  	s1 =	ssub.s32 @!p0 $0x0, s1;
	[sflag:s0] =	ssyncset.done @!p0 $0x0  }
0x54: {  	[sflag:s0] =	ssyncadd.s32 @!p0 s1  }
0x55: {  	[bflag:$0x3] =	sbarrier.arrive $0xFFFF  }
0x56: {  	_ =	shalt  }

</sc_bundles>
